<compile_context>
chip_gen: v7x
topology: tpu7x:2x2x1
jax: 0.10.2.dev20260603
libtpu: 0.0.44.dev20260713+nightly
codegen_flags: <defaults>
</compile_context>

<pallas_src>
import jax
import jax.numpy as jnp
import numpy as np
from jax import lax
from jax.experimental import pallas as pl
from jax.experimental.pallas import tpu as pltpu
from jax.experimental.pallas import tpu_sc as plsc

H = W = 32
C = 768
NBOX = 6
B = 8
_EPS32 = float(np.finfo(np.float32).eps)

_NW = 32
_PW = (H * W) // _NW
_CHUNK = _PW * C
_XWORDS = B * H * W * C
_GRP = 2


def _wmat(lo, hi):
    n = (hi - lo + 1).astype(jnp.float32)
    inv = 32.0 / n
    r = jax.lax.broadcasted_iota(jnp.int32, (32, 32), 1)
    i_in = jax.lax.broadcasted_iota(jnp.int32, (32, 32), 0).astype(jnp.float32)
    j = jnp.clip(r - lo, 0, 31).astype(jnp.float32)
    sample_f = (j + 0.5) * inv - 0.5
    wt = jnp.maximum(0.0, 1.0 - jnp.abs(sample_f - i_in) / inv)
    tot = jnp.sum(wt, axis=0, keepdims=True)
    wt = jnp.where(jnp.abs(tot) > 1000.0 * _EPS32,
                   wt / jnp.where(tot != 0.0, tot, 1.0), 0.0)
    wt = jnp.where((sample_f >= -0.5) & (sample_f <= 31.5), wt, 0.0)
    return wt


def _overlay_body(y_ref, base_ref, e_ref, comb_ref):
    rr = jax.lax.broadcasted_iota(jnp.int32, (H, W), 0)
    cc = jax.lax.broadcasted_iota(jnp.int32, (H, W), 1)
    applied = jnp.zeros((H, W), jnp.float32)
    comb = jnp.zeros((H, W, C), jnp.float32)
    gxs, gys, masks = [], [], []
    for i in range(NBOX):
        b0 = y_ref[i, 0]
        b1 = y_ref[i, 1]
        b2 = y_ref[i, 2]
        b3 = y_ref[i, 3]
        valid = ((b0 >= 0) & (b1 >= 0) & (b2 >= 0) & (b3 >= 0)).astype(jnp.float32)
        x1g = jnp.clip(jnp.floor(b0.astype(jnp.float32) * (1.0 / 16.0)), 0.0, 31.0)
        y1g = jnp.clip(jnp.floor(b1.astype(jnp.float32) * (1.0 / 16.0)), 0.0, 31.0)
        x2g = jnp.clip(jnp.floor(b2.astype(jnp.float32) * (1.0 / 16.0)), 0.0, 31.0)
        y2g = jnp.clip(jnp.floor(b3.astype(jnp.float32) * (1.0 / 16.0)), 0.0, 31.0)
        x_min = jnp.minimum(x1g, x2g).astype(jnp.int32)
        x_max = jnp.maximum(x1g, x2g).astype(jnp.int32)
        y_min = jnp.minimum(y1g, y2g).astype(jnp.int32)
        y_max = jnp.maximum(y1g, y2g).astype(jnp.int32)

        box_mask = ((rr >= y_min) & (rr <= y_max) &
                    (cc >= x_min) & (cc <= x_max)).astype(jnp.float32) * valid
        new_mask = box_mask * (1.0 - applied)
        applied = applied + new_mask
        masks.append(new_mask)
        gxs.append(_wmat(x_min, x_max))
        gys.append(_wmat(y_min, y_max))

    gxcat = jnp.concatenate(gxs, axis=1).astype(jnp.bfloat16)
    v = jax.lax.dot_general(gxcat, base_ref[...], (((0,), (0,)), ((), ())),
                            preferred_element_type=jnp.float32)
    v = v.astype(jnp.bfloat16)
    v4t = jnp.swapaxes(v.reshape(NBOX, W, 32, C), 1, 2)
    for i in range(NBOX):
        w = jax.lax.dot_general(gys[i].astype(jnp.bfloat16),
                                v4t[i].reshape(32, W * C),
                                (((0,), (0,)), ((), ())),
                                preferred_element_type=jnp.float32)
        m2 = jax.lax.dot_general(masks[i].astype(jnp.bfloat16), e_ref[...],
                                 (((1,), (0,)), ((), ())),
                                 preferred_element_type=jnp.float32)
        comb = comb + (w * m2).reshape(H, W, C)
    comb_ref[...] = comb.reshape(H * W, C)


def _overlay(y32, base_jic, expand):
    return pl.pallas_call(
        _overlay_body,
        grid=(1,),
        in_specs=[
            pl.BlockSpec(memory_space=pltpu.SMEM),
            pl.BlockSpec((32, 32 * C), lambda b: (0, 0)),
            pl.BlockSpec((32, 32 * C), lambda b: (0, 0)),
        ],
        out_specs=pl.BlockSpec((H * W, C), lambda b: (0, 0)),
        out_shape=jax.ShapeDtypeStruct((H * W, C), jnp.float32),
    )(y32, base_jic, expand)


def _sc_add_body(x_hbm, comb_hbm, out_hbm, comb_v, b0, b1,
                 csem, is0, is1, os0, os1):
    bufs = (b0, b1)
    isems = (is0, is1)
    osems = (os0, os1)
    cid = lax.axis_index("c")
    sid = lax.axis_index("s")
    wid = sid * 2 + cid
    rbase = wid * _PW

    pltpu.async_copy(comb_hbm.at[pl.ds(rbase, _PW)], comb_v, csem).wait()

    def add_chunk(buf):
        def row_body(k, carry):
            t = k // _PW
            r = k - t * _PW

            @plsc.parallel_loop(0, C, step=16, unroll=16)
            def _(off):
                plsc.addupdate(buf.at[t, r, pl.ds(off, 16)],
                               comb_v[r, pl.ds(off, 16)])
            return carry
        lax.fori_loop(0, _GRP * _PW, row_body, 0)

    ngrp = B // _GRP
    cp_in = [None] * ngrp
    cp_out = [None] * ngrp
    cp_in[0] = pltpu.async_copy(
        x_hbm.at[pl.ds(0, _GRP), pl.ds(rbase, _PW), :], bufs[0], isems[0])
    for g in range(ngrp):
        ng = g + 1
        if ng < ngrp:
            if ng >= 2:
                cp_out[ng - 2].wait()
            cp_in[ng] = pltpu.async_copy(
                x_hbm.at[pl.ds(ng * _GRP, _GRP), pl.ds(rbase, _PW), :],
                bufs[ng % 2], isems[ng % 2])
        cp_in[g].wait()
        add_chunk(bufs[g % 2])
        cp_out[g] = pltpu.async_copy(
            bufs[g % 2], out_hbm.at[pl.ds(g * _GRP, _GRP), pl.ds(rbase, _PW), :],
            osems[g % 2])
    for g in range(ngrp - 2, ngrp):
        cp_out[g].wait()


def _sc_add(x3, comb2):
    mesh = plsc.VectorSubcoreMesh(core_axis_name="c", subcore_axis_name="s")
    fn = pl.kernel(
        _sc_add_body,
        out_type=jax.ShapeDtypeStruct((B, H * W, C), jnp.float32),
        mesh=mesh,
        scratch_types=(
            [pltpu.VMEM((_PW, C), jnp.float32)]
            + [pltpu.VMEM((_GRP, _PW, C), jnp.float32)] * 2
            + [pltpu.SemaphoreType.DMA] * 5
        ),
    )
    return fn(x3, comb2)


def kernel(x, y, base_prompt):
    y32 = y.astype(jnp.int32)
    base_jic = jnp.transpose(base_prompt, (1, 0, 2)).reshape(32, 32 * C).astype(jnp.bfloat16)
    expand = jnp.asarray(np.repeat(np.eye(32, dtype=np.float32), C, axis=1),
                         dtype=jnp.bfloat16)
    comb = _overlay(y32, base_jic, expand)
    out = _sc_add(x.reshape(B, H * W, C), comb)
    return out.reshape(B, H, W, C)

# --- scband reference (transcript-rebuilt; emitter-appended) ---
"""Pipeline reference for scband-bounding-box-prompter-352187318715 (READ-ONLY COPY).

The authoritative reference and input builder live on the scoring server;
editing this copy changes nothing except your own understanding.
"""

import jax, jax.numpy as jnp
import numpy as np

IMAGE_SIZE = 512
MAX_BOXES = 6
BASE_PH, BASE_PW = 32, 32


def _weight_mat(input_size, out_cols, output_size_t):
    dtype = jnp.float64
    scale = output_size_t.astype(dtype) / input_size
    inv_scale = 1. / scale
    kernel_scale = jnp.maximum(inv_scale, 1.)
    sample_f = (jnp.arange(out_cols, dtype=dtype) + 0.5) * inv_scale - 0.5
    x = jnp.abs(sample_f[jnp.newaxis, :] -
                jnp.arange(input_size, dtype=dtype)[:, jnp.newaxis]) / kernel_scale
    weights = jnp.maximum(0, 1 - jnp.abs(x))
    total_weight_sum = jnp.sum(weights, axis=0, keepdims=True)
    weights = jnp.where(
        jnp.abs(total_weight_sum) > 1000. * float(np.finfo(np.float32).eps),
        jnp.divide(weights, jnp.where(total_weight_sum != 0, total_weight_sum, 1)),
        0)
    weights = jnp.where(
        jnp.logical_and(sample_f >= -0.5, sample_f <= input_size - 0.5)[jnp.newaxis, :],
        weights, 0)
    return weights.astype(jnp.float32)


def setup_inputs(seed: int = 0) -> dict:
    key = jax.random.key(seed)
    k1, k2, k3 = jax.random.split(key, 3)
    x = jax.random.normal(k1, (8, 32, 32, 768), dtype=jnp.float32)
    y = jax.random.randint(k2, (MAX_BOXES, 4), 0, 512).astype(jnp.int64)
    base_prompt = jax.random.normal(k3, (BASE_PH, BASE_PW, 768), dtype=jnp.float32) * 1e-05
    return {"x": x, "y": y, "base_prompt": base_prompt}


def reference(x, y, base_prompt):
    B, H, W, C = x.shape
    scale_x = W / float(IMAGE_SIZE)
    scale_y = H / float(IMAGE_SIZE)
    rows = jnp.arange(H)
    cols = jnp.arange(W)
    applied = jnp.zeros((H, W), dtype=jnp.float32)
    combined = jnp.zeros((H, W, C), dtype=x.dtype)
    for i in range(MAX_BOXES):
        box = y[i].astype(jnp.float64)
        valid = jnp.all(box >= 0).astype(jnp.float32)
        x1g = jnp.clip(jnp.floor(box[0] * scale_x), 0, W - 1)
        y1g = jnp.clip(jnp.floor(box[1] * scale_y), 0, H - 1)
        x2g = jnp.clip(jnp.floor(box[2] * scale_x), 0, W - 1)
        y2g = jnp.clip(jnp.floor(box[3] * scale_y), 0, H - 1)
        x_min = jnp.minimum(x1g, x2g).astype(jnp.int32)
        x_max = jnp.maximum(x1g, x2g).astype(jnp.int32)
        y_min = jnp.minimum(y1g, y2g).astype(jnp.int32)
        y_max = jnp.maximum(y1g, y2g).astype(jnp.int32)
        bh = y_max - y_min + 1
        bw = x_max - x_min + 1
        row_in = ((rows >= y_min) & (rows <= y_max)).astype(jnp.float32)
        col_in = ((cols >= x_min) & (cols <= x_max)).astype(jnp.float32)
        box_mask = row_in[:, None] * col_in[None, :] * valid
        new_mask = box_mask * (1.0 - applied)
        applied = applied + new_mask
        w_y = _weight_mat(BASE_PH, H, bh)
        w_x = _weight_mat(BASE_PW, W, bw)
        resized = jnp.einsum(base_prompt, [0, 1, 2], w_y, [0, 3], w_x, [1, 4],
                             [3, 4, 2], precision='highest')
        idx_r = jnp.clip(rows - y_min, 0, BASE_PH - 1)
        idx_c = jnp.clip(cols - x_min, 0, BASE_PW - 1)
        gathered = resized[idx_r][:, idx_c]
        combined = combined + gathered * new_mask[:, :, None]
    return x + combined[None]

if __name__ == "__main__":
    import jax
    _d = setup_inputs()
    print(jax.jit(kernel)(*tuple(_d.values())))

</pallas_src>

<mosaic_0001>
#map = affine_map<(d0, d1) -> (0, 0, 0)>
#map1 = affine_map<(d0, d1) -> (0, 0)>
module attributes {stable_mosaic.version = 14 : i64} {
  func.func @_sc_add_body(%arg0: i32, %arg1: i32, %arg2: memref<8x1024x768xf32, #tpu.memory_space<hbm>>, %arg3: memref<1024x768xf32, #tpu.memory_space<hbm>>, %arg4: memref<8x1024x768xf32, #tpu.memory_space<hbm>>, %arg5: memref<32x768xf32, #tpu.memory_space<vmem>>, %arg6: memref<2x32x768xf32, #tpu.memory_space<vmem>>, %arg7: memref<2x32x768xf32, #tpu.memory_space<vmem>>, %arg8: memref<!tpu.dma_semaphore, #tpu.memory_space<semaphore_mem>>, %arg9: memref<!tpu.dma_semaphore, #tpu.memory_space<semaphore_mem>>, %arg10: memref<!tpu.dma_semaphore, #tpu.memory_space<semaphore_mem>>, %arg11: memref<!tpu.dma_semaphore, #tpu.memory_space<semaphore_mem>>, %arg12: memref<!tpu.dma_semaphore, #tpu.memory_space<semaphore_mem>>) attributes {dimension_semantics = [#tpu.dimension_semantics<core_parallel>, #tpu.dimension_semantics<subcore_parallel>], iteration_bounds = array<i64: 2, 16>, scalar_prefetch = 0 : i64, scratch_operands = 8 : i64, tpu.core_type = #tpu.core_type<sc_vector_subcore>, window_params = [{transform_indices = #map}, {transform_indices = #map1}, {transform_indices = #map}]} {
    %mul3A = arith.constant 2 : i32
    %mul3A_0 = arith.muli %arg1, %mul3A : i32
    %add3A = arith.addi %mul3A_0, %arg0 : i32
    %mul3A_1 = arith.constant 32 : i32
    %mul3A_2 = arith.muli %add3A, %mul3A_1 : i32
    %dma_start3A = arith.constant 0 : i32
    %dma_start3A_3 = tpu.memref_slice %arg3[%mul3A_2, %dma_start3A] : memref<1024x768xf32, #tpu.memory_space<hbm>> -> memref<32x768xf32, #tpu.memory_space<hbm>>
    %dma_start3A_4 = arith.constant 0 : i32
    %dma_start3A_5 = tpu.memref_slice %arg3[%mul3A_2, %dma_start3A_4] : memref<1024x768xf32, #tpu.memory_space<hbm>> -> memref<32x768xf32, #tpu.memory_space<hbm>>
    tpu.enqueue_dma source(%dma_start3A_5 : memref<32x768xf32, #tpu.memory_space<hbm>>) target(%arg5 : memref<32x768xf32, #tpu.memory_space<vmem>>) target_semaphore(%arg8 : memref<!tpu.dma_semaphore, #tpu.memory_space<semaphore_mem>>)
    %dma_wait3A = arith.constant 0 : i32
    %dma_wait3A_6 = tpu.memref_slice %arg3[%mul3A_2, %dma_wait3A] : memref<1024x768xf32, #tpu.memory_space<hbm>> -> memref<32x768xf32, #tpu.memory_space<hbm>>
    %dma_wait3A_7 = arith.constant 0 : i32
    %dma_wait3A_8 = tpu.memref_slice %arg3[%mul3A_2, %dma_wait3A_7] : memref<1024x768xf32, #tpu.memory_space<hbm>> -> memref<32x768xf32, #tpu.memory_space<hbm>>
    tpu.wait_dma2 semaphore(%arg8 : memref<!tpu.dma_semaphore, #tpu.memory_space<semaphore_mem>>) src(%dma_wait3A_8 : memref<32x768xf32, #tpu.memory_space<hbm>>) dst(%arg5 : memref<32x768xf32, #tpu.memory_space<vmem>>)
    %dma_start3A_9 = arith.constant 0 : i32
    %dma_start3A_10 = arith.constant 0 : i32
    %dma_start3A_11 = tpu.memref_slice %arg2[%dma_start3A_9, %mul3A_2, %dma_start3A_10] : memref<8x1024x768xf32, #tpu.memory_space<hbm>> -> memref<2x32x768xf32, #tpu.memory_space<hbm>>
    %dma_start3A_12 = arith.constant 0 : i32
    %dma_start3A_13 = arith.constant 0 : i32
    %dma_start3A_14 = tpu.memref_slice %arg2[%dma_start3A_12, %mul3A_2, %dma_start3A_13] : memref<8x1024x768xf32, #tpu.memory_space<hbm>> -> memref<2x32x768xf32, #tpu.memory_space<hbm>>
    tpu.enqueue_dma source(%dma_start3A_14 : memref<2x32x768xf32, #tpu.memory_space<hbm>>) target(%arg6 : memref<2x32x768xf32, #tpu.memory_space<vmem>>) target_semaphore(%arg9 : memref<!tpu.dma_semaphore, #tpu.memory_space<semaphore_mem>>)
    %dma_start3A_15 = arith.constant 2 : i32
    %dma_start3A_16 = arith.constant 0 : i32
    %dma_start3A_17 = tpu.memref_slice %arg2[%dma_start3A_15, %mul3A_2, %dma_start3A_16] : memref<8x1024x768xf32, #tpu.memory_space<hbm>> -> memref<2x32x768xf32, #tpu.memory_space<hbm>>
    %dma_start3A_18 = arith.constant 2 : i32
    %dma_start3A_19 = arith.constant 0 : i32
    %dma_start3A_20 = tpu.memref_slice %arg2[%dma_start3A_18, %mul3A_2, %dma_start3A_19] : memref<8x1024x768xf32, #tpu.memory_space<hbm>> -> memref<2x32x768xf32, #tpu.memory_space<hbm>>
    tpu.enqueue_dma source(%dma_start3A_20 : memref<2x32x768xf32, #tpu.memory_space<hbm>>) target(%arg7 : memref<2x32x768xf32, #tpu.memory_space<vmem>>) target_semaphore(%arg10 : memref<!tpu.dma_semaphore, #tpu.memory_space<semaphore_mem>>)
    %dma_wait3A_21 = arith.constant 0 : i32
    %dma_wait3A_22 = arith.constant 0 : i32
    %dma_wait3A_23 = tpu.memref_slice %arg2[%dma_wait3A_21, %mul3A_2, %dma_wait3A_22] : memref<8x1024x768xf32, #tpu.memory_space<hbm>> -> memref<2x32x768xf32, #tpu.memory_space<hbm>>
    %dma_wait3A_24 = arith.constant 0 : i32
    %dma_wait3A_25 = arith.constant 0 : i32
    %dma_wait3A_26 = tpu.memref_slice %arg2[%dma_wait3A_24, %mul3A_2, %dma_wait3A_25] : memref<8x1024x768xf32, #tpu.memory_space<hbm>> -> memref<2x32x768xf32, #tpu.memory_space<hbm>>
    tpu.wait_dma2 semaphore(%arg9 : memref<!tpu.dma_semaphore, #tpu.memory_space<semaphore_mem>>) src(%dma_wait3A_26 : memref<2x32x768xf32, #tpu.memory_space<hbm>>) dst(%arg6 : memref<2x32x768xf32, #tpu.memory_space<vmem>>)
    %scan3A = arith.constant 0 : i32
    %scan3A_27 = arith.constant 0 : i32
    %scan3A_28 = arith.constant 64 : i32
    %scan3A_29 = arith.addi %scan3A_27, %scan3A_28 : i32
    %scan3A_30 = arith.constant 1 : i32
    scf.for %scan3A_128 = %scan3A_27 to %scan3A_29 step %scan3A_30  : i32 {
      %jit3A = arith.constant 32 : i32
      %div3A = arith.divsi %scan3A_128, %jit3A : i32
      %sign3A = arith.constant 0 : i32
      %sign3A_129 = arith.cmpi sgt, %scan3A_128, %sign3A : i32
      %sign3A_130 = arith.extui %sign3A_129 : i1 to i32
      %sign3A_131 = arith.constant 0 : i32
      %sign3A_132 = arith.cmpi slt, %scan3A_128, %sign3A_131 : i32
      %sign3A_133 = arith.extui %sign3A_132 : i1 to i32
      %sign3A_134 = arith.subi %sign3A_130, %sign3A_133 : i32
      %sign3A_135 = arith.constant 0 : i32
      %sign3A_136 = arith.cmpi sgt, %jit3A, %sign3A_135 : i32
      %sign3A_137 = arith.extui %sign3A_136 : i1 to i32
      %sign3A_138 = arith.constant 0 : i32
      %sign3A_139 = arith.cmpi slt, %jit3A, %sign3A_138 : i32
      %sign3A_140 = arith.extui %sign3A_139 : i1 to i32
      %sign3A_141 = arith.subi %sign3A_137, %sign3A_140 : i32
      %ne3A = arith.cmpi ne, %sign3A_134, %sign3A_141 : i32
      %rem3A = arith.remsi %scan3A_128, %jit3A : i32
      %ne3A_142 = arith.constant 0 : i32
      %ne3A_143 = arith.cmpi ne, %rem3A, %ne3A_142 : i32
      %and3A = arith.andi %ne3A, %ne3A_143 : i1
      %sub3A = arith.constant 1 : i32
      %sub3A_144 = arith.subi %div3A, %sub3A : i32
      %select_n3A = arith.select %and3A, %sub3A_144, %div3A : i32
      %mul3A_145 = arith.constant 32 : i32
      %mul3A_146 = arith.muli %select_n3A, %mul3A_145 : i32
      %sub3A_147 = arith.subi %scan3A_128, %mul3A_146 : i32
      %parallel_loop3A = arith.constant 0 : i32
      %parallel_loop3A_148 = arith.constant 768 : i32
      %parallel_loop3A_149 = arith.constant 16 : i32
      scf.for %parallel_loop3A_150 = %parallel_loop3A to %parallel_loop3A_148 step %parallel_loop3A_149  : i32 {
        %parallel_loop3A_151 = arith.index_cast %sub3A_147 : i32 to index
        %parallel_loop3A_152 = arith.index_cast %parallel_loop3A_150 : i32 to index
        %parallel_loop3A_153 = tpu.vector_load %arg5[%parallel_loop3A_151, %parallel_loop3A_152] {strides = array<i32>} : memref<32x768xf32, #tpu.memory_space<vmem>>, vector<1x16xf32>,
        %parallel_loop3A_154 = vector.shape_cast %parallel_loop3A_153 : vector<1x16xf32> to vector<16xf32>
        %parallel_loop3A_155 = arith.index_cast %select_n3A : i32 to index
        %parallel_loop3A_156 = arith.index_cast %sub3A_147 : i32 to index
        %parallel_loop3A_157 = arith.index_cast %parallel_loop3A_150 : i32 to index
        %parallel_loop3A_158 = tpu.vector_load %arg6[%parallel_loop3A_155, %parallel_loop3A_156, %parallel_loop3A_157] {strides = array<i32>} : memref<2x32x768xf32, #tpu.memory_space<vmem>>, vector<1x1x16xf32>,
        %parallel_loop3A_159 = vector.shape_cast %parallel_loop3A_158 : vector<1x1x16xf32> to vector<16xf32>
        %parallel_loop3A_160 = vector.shape_cast %parallel_loop3A_154 : vector<16xf32> to vector<1x1x16xf32>
        tpu.vector_store %arg6[%parallel_loop3A_155, %parallel_loop3A_156, %parallel_loop3A_157], %parallel_loop3A_160 {add = true, strides = array<i32>} : memref<2x32x768xf32, #tpu.memory_space<vmem>>, vector<1x1x16xf32>,
      } {sc.loop_unroll_factor = 16 : i64, sc.parallel_access}
    }
    %scan3A_31 = arith.constant 64 : i32
    %dma_start3A_32 = arith.constant 0 : i32
    %dma_start3A_33 = arith.constant 0 : i32
    %dma_start3A_34 = tpu.memref_slice %arg4[%dma_start3A_32, %mul3A_2, %dma_start3A_33] : memref<8x1024x768xf32, #tpu.memory_space<hbm>> -> memref<2x32x768xf32, #tpu.memory_space<hbm>>
    %dma_start3A_35 = arith.constant 0 : i32
    %dma_start3A_36 = arith.constant 0 : i32
    %dma_start3A_37 = tpu.memref_slice %arg4[%dma_start3A_35, %mul3A_2, %dma_start3A_36] : memref<8x1024x768xf32, #tpu.memory_space<hbm>> -> memref<2x32x768xf32, #tpu.memory_space<hbm>>
    tpu.enqueue_dma source(%arg6 : memref<2x32x768xf32, #tpu.memory_space<vmem>>) target(%dma_start3A_37 : memref<2x32x768xf32, #tpu.memory_space<hbm>>) target_semaphore(%arg11 : memref<!tpu.dma_semaphore, #tpu.memory_space<semaphore_mem>>)
    %dma_wait3A_38 = arith.constant 0 : i32
    %dma_wait3A_39 = arith.constant 0 : i32
    %dma_wait3A_40 = tpu.memref_slice %arg4[%dma_wait3A_38, %mul3A_2, %dma_wait3A_39] : memref<8x1024x768xf32, #tpu.memory_space<hbm>> -> memref<2x32x768xf32, #tpu.memory_space<hbm>>
    %dma_wait3A_41 = arith.constant 0 : i32
    %dma_wait3A_42 = arith.constant 0 : i32
    %dma_wait3A_43 = tpu.memref_slice %arg4[%dma_wait3A_41, %mul3A_2, %dma_wait3A_42] : memref<8x1024x768xf32, #tpu.memory_space<hbm>> -> memref<2x32x768xf32, #tpu.memory_space<hbm>>
    tpu.wait_dma2 semaphore(%arg11 : memref<!tpu.dma_semaphore, #tpu.memory_space<semaphore_mem>>) src(%arg6 : memref<2x32x768xf32, #tpu.memory_space<vmem>>) dst(%dma_wait3A_43 : memref<2x32x768xf32, #tpu.memory_space<hbm>>)
    %dma_start3A_44 = arith.constant 4 : i32
    %dma_start3A_45 = arith.constant 0 : i32
    %dma_start3A_46 = tpu.memref_slice %arg2[%dma_start3A_44, %mul3A_2, %dma_start3A_45] : memref<8x1024x768xf32, #tpu.memory_space<hbm>> -> memref<2x32x768xf32, #tpu.memory_space<hbm>>
    %dma_start3A_47 = arith.constant 4 : i32
    %dma_start3A_48 = arith.constant 0 : i32
    %dma_start3A_49 = tpu.memref_slice %arg2[%dma_start3A_47, %mul3A_2, %dma_start3A_48] : memref<8x1024x768xf32, #tpu.memory_space<hbm>> -> memref<2x32x768xf32, #tpu.memory_space<hbm>>
    tpu.enqueue_dma source(%dma_start3A_49 : memref<2x32x768xf32, #tpu.memory_space<hbm>>) target(%arg6 : memref<2x32x768xf32, #tpu.memory_space<vmem>>) target_semaphore(%arg9 : memref<!tpu.dma_semaphore, #tpu.memory_space<semaphore_mem>>)
    %dma_wait3A_50 = arith.constant 2 : i32
    %dma_wait3A_51 = arith.constant 0 : i32
    %dma_wait3A_52 = tpu.memref_slice %arg2[%dma_wait3A_50, %mul3A_2, %dma_wait3A_51] : memref<8x1024x768xf32, #tpu.memory_space<hbm>> -> memref<2x32x768xf32, #tpu.memory_space<hbm>>
    %dma_wait3A_53 = arith.constant 2 : i32
    %dma_wait3A_54 = arith.constant 0 : i32
    %dma_wait3A_55 = tpu.memref_slice %arg2[%dma_wait3A_53, %mul3A_2, %dma_wait3A_54] : memref<8x1024x768xf32, #tpu.memory_space<hbm>> -> memref<2x32x768xf32, #tpu.memory_space<hbm>>
    tpu.wait_dma2 semaphore(%arg10 : memref<!tpu.dma_semaphore, #tpu.memory_space<semaphore_mem>>) src(%dma_wait3A_55 : memref<2x32x768xf32, #tpu.memory_space<hbm>>) dst(%arg7 : memref<2x32x768xf32, #tpu.memory_space<vmem>>)
    %scan3A_56 = arith.constant 0 : i32
    %scan3A_57 = arith.constant 0 : i32
    %scan3A_58 = arith.constant 64 : i32
    %scan3A_59 = arith.addi %scan3A_57, %scan3A_58 : i32
    %scan3A_60 = arith.constant 1 : i32
    scf.for %scan3A_128 = %scan3A_57 to %scan3A_59 step %scan3A_60  : i32 {
      %jit3A = arith.constant 32 : i32
      %div3A = arith.divsi %scan3A_128, %jit3A : i32
      %sign3A = arith.constant 0 : i32
      %sign3A_129 = arith.cmpi sgt, %scan3A_128, %sign3A : i32
      %sign3A_130 = arith.extui %sign3A_129 : i1 to i32
      %sign3A_131 = arith.constant 0 : i32
      %sign3A_132 = arith.cmpi slt, %scan3A_128, %sign3A_131 : i32
      %sign3A_133 = arith.extui %sign3A_132 : i1 to i32
      %sign3A_134 = arith.subi %sign3A_130, %sign3A_133 : i32
      %sign3A_135 = arith.constant 0 : i32
      %sign3A_136 = arith.cmpi sgt, %jit3A, %sign3A_135 : i32
      %sign3A_137 = arith.extui %sign3A_136 : i1 to i32
      %sign3A_138 = arith.constant 0 : i32
      %sign3A_139 = arith.cmpi slt, %jit3A, %sign3A_138 : i32
      %sign3A_140 = arith.extui %sign3A_139 : i1 to i32
      %sign3A_141 = arith.subi %sign3A_137, %sign3A_140 : i32
      %ne3A = arith.cmpi ne, %sign3A_134, %sign3A_141 : i32
      %rem3A = arith.remsi %scan3A_128, %jit3A : i32
      %ne3A_142 = arith.constant 0 : i32
      %ne3A_143 = arith.cmpi ne, %rem3A, %ne3A_142 : i32
      %and3A = arith.andi %ne3A, %ne3A_143 : i1
      %sub3A = arith.constant 1 : i32
      %sub3A_144 = arith.subi %div3A, %sub3A : i32
      %select_n3A = arith.select %and3A, %sub3A_144, %div3A : i32
      %mul3A_145 = arith.constant 32 : i32
      %mul3A_146 = arith.muli %select_n3A, %mul3A_145 : i32
      %sub3A_147 = arith.subi %scan3A_128, %mul3A_146 : i32
      %parallel_loop3A = arith.constant 0 : i32
      %parallel_loop3A_148 = arith.constant 768 : i32
      %parallel_loop3A_149 = arith.constant 16 : i32
      scf.for %parallel_loop3A_150 = %parallel_loop3A to %parallel_loop3A_148 step %parallel_loop3A_149  : i32 {
        %parallel_loop3A_151 = arith.index_cast %sub3A_147 : i32 to index
        %parallel_loop3A_152 = arith.index_cast %parallel_loop3A_150 : i32 to index
        %parallel_loop3A_153 = tpu.vector_load %arg5[%parallel_loop3A_151, %parallel_loop3A_152] {strides = array<i32>} : memref<32x768xf32, #tpu.memory_space<vmem>>, vector<1x16xf32>,
        %parallel_loop3A_154 = vector.shape_cast %parallel_loop3A_153 : vector<1x16xf32> to vector<16xf32>
        %parallel_loop3A_155 = arith.index_cast %select_n3A : i32 to index
        %parallel_loop3A_156 = arith.index_cast %sub3A_147 : i32 to index
        %parallel_loop3A_157 = arith.index_cast %parallel_loop3A_150 : i32 to index
        %parallel_loop3A_158 = tpu.vector_load %arg7[%parallel_loop3A_155, %parallel_loop3A_156, %parallel_loop3A_157] {strides = array<i32>} : memref<2x32x768xf32, #tpu.memory_space<vmem>>, vector<1x1x16xf32>,
        %parallel_loop3A_159 = vector.shape_cast %parallel_loop3A_158 : vector<1x1x16xf32> to vector<16xf32>
        %parallel_loop3A_160 = vector.shape_cast %parallel_loop3A_154 : vector<16xf32> to vector<1x1x16xf32>
        tpu.vector_store %arg7[%parallel_loop3A_155, %parallel_loop3A_156, %parallel_loop3A_157], %parallel_loop3A_160 {add = true, strides = array<i32>} : memref<2x32x768xf32, #tpu.memory_space<vmem>>, vector<1x1x16xf32>,
      } {sc.loop_unroll_factor = 16 : i64, sc.parallel_access}
    }
    %scan3A_61 = arith.constant 64 : i32
    %dma_start3A_62 = arith.constant 2 : i32
    %dma_start3A_63 = arith.constant 0 : i32
    %dma_start3A_64 = tpu.memref_slice %arg4[%dma_start3A_62, %mul3A_2, %dma_start3A_63] : memref<8x1024x768xf32, #tpu.memory_space<hbm>> -> memref<2x32x768xf32, #tpu.memory_space<hbm>>
    %dma_start3A_65 = arith.constant 2 : i32
    %dma_start3A_66 = arith.constant 0 : i32
    %dma_start3A_67 = tpu.memref_slice %arg4[%dma_start3A_65, %mul3A_2, %dma_start3A_66] : memref<8x1024x768xf32, #tpu.memory_space<hbm>> -> memref<2x32x768xf32, #tpu.memory_space<hbm>>
    tpu.enqueue_dma source(%arg7 : memref<2x32x768xf32, #tpu.memory_space<vmem>>) target(%dma_start3A_67 : memref<2x32x768xf32, #tpu.memory_space<hbm>>) target_semaphore(%arg12 : memref<!tpu.dma_semaphore, #tpu.memory_space<semaphore_mem>>)
    %dma_wait3A_68 = arith.constant 2 : i32
    %dma_wait3A_69 = arith.constant 0 : i32
    %dma_wait3A_70 = tpu.memref_slice %arg4[%dma_wait3A_68, %mul3A_2, %dma_wait3A_69] : memref<8x1024x768xf32, #tpu.memory_space<hbm>> -> memref<2x32x768xf32, #tpu.memory_space<hbm>>
    %dma_wait3A_71 = arith.constant 2 : i32
    %dma_wait3A_72 = arith.constant 0 : i32
    %dma_wait3A_73 = tpu.memref_slice %arg4[%dma_wait3A_71, %mul3A_2, %dma_wait3A_72] : memref<8x1024x768xf32, #tpu.memory_space<hbm>> -> memref<2x32x768xf32, #tpu.memory_space<hbm>>
    tpu.wait_dma2 semaphore(%arg12 : memref<!tpu.dma_semaphore, #tpu.memory_space<semaphore_mem>>) src(%arg7 : memref<2x32x768xf32, #tpu.memory_space<vmem>>) dst(%dma_wait3A_73 : memref<2x32x768xf32, #tpu.memory_space<hbm>>)
    %dma_start3A_74 = arith.constant 6 : i32
    %dma_start3A_75 = arith.constant 0 : i32
    %dma_start3A_76 = tpu.memref_slice %arg2[%dma_start3A_74, %mul3A_2, %dma_start3A_75] : memref<8x1024x768xf32, #tpu.memory_space<hbm>> -> memref<2x32x768xf32, #tpu.memory_space<hbm>>
    %dma_start3A_77 = arith.constant 6 : i32
    %dma_start3A_78 = arith.constant 0 : i32
    %dma_start3A_79 = tpu.memref_slice %arg2[%dma_start3A_77, %mul3A_2, %dma_start3A_78] : memref<8x1024x768xf32, #tpu.memory_space<hbm>> -> memref<2x32x768xf32, #tpu.memory_space<hbm>>
    tpu.enqueue_dma source(%dma_start3A_79 : memref<2x32x768xf32, #tpu.memory_space<hbm>>) target(%arg7 : memref<2x32x768xf32, #tpu.memory_space<vmem>>) target_semaphore(%arg10 : memref<!tpu.dma_semaphore, #tpu.memory_space<semaphore_mem>>)
    %dma_wait3A_80 = arith.constant 4 : i32
    %dma_wait3A_81 = arith.constant 0 : i32
    %dma_wait3A_82 = tpu.memref_slice %arg2[%dma_wait3A_80, %mul3A_2, %dma_wait3A_81] : memref<8x1024x768xf32, #tpu.memory_space<hbm>> -> memref<2x32x768xf32, #tpu.memory_space<hbm>>
    %dma_wait3A_83 = arith.constant 4 : i32
    %dma_wait3A_84 = arith.constant 0 : i32
    %dma_wait3A_85 = tpu.memref_slice %arg2[%dma_wait3A_83, %mul3A_2, %dma_wait3A_84] : memref<8x1024x768xf32, #tpu.memory_space<hbm>> -> memref<2x32x768xf32, #tpu.memory_space<hbm>>
    tpu.wait_dma2 semaphore(%arg9 : memref<!tpu.dma_semaphore, #tpu.memory_space<semaphore_mem>>) src(%dma_wait3A_85 : memref<2x32x768xf32, #tpu.memory_space<hbm>>) dst(%arg6 : memref<2x32x768xf32, #tpu.memory_space<vmem>>)
    %scan3A_86 = arith.constant 0 : i32
    %scan3A_87 = arith.constant 0 : i32
    %scan3A_88 = arith.constant 64 : i32
    %scan3A_89 = arith.addi %scan3A_87, %scan3A_88 : i32
    %scan3A_90 = arith.constant 1 : i32
    scf.for %scan3A_128 = %scan3A_87 to %scan3A_89 step %scan3A_90  : i32 {
      %jit3A = arith.constant 32 : i32
      %div3A = arith.divsi %scan3A_128, %jit3A : i32
      %sign3A = arith.constant 0 : i32
      %sign3A_129 = arith.cmpi sgt, %scan3A_128, %sign3A : i32
      %sign3A_130 = arith.extui %sign3A_129 : i1 to i32
      %sign3A_131 = arith.constant 0 : i32
      %sign3A_132 = arith.cmpi slt, %scan3A_128, %sign3A_131 : i32
      %sign3A_133 = arith.extui %sign3A_132 : i1 to i32
      %sign3A_134 = arith.subi %sign3A_130, %sign3A_133 : i32
      %sign3A_135 = arith.constant 0 : i32
      %sign3A_136 = arith.cmpi sgt, %jit3A, %sign3A_135 : i32
      %sign3A_137 = arith.extui %sign3A_136 : i1 to i32
      %sign3A_138 = arith.constant 0 : i32
      %sign3A_139 = arith.cmpi slt, %jit3A, %sign3A_138 : i32
      %sign3A_140 = arith.extui %sign3A_139 : i1 to i32
      %sign3A_141 = arith.subi %sign3A_137, %sign3A_140 : i32
      %ne3A = arith.cmpi ne, %sign3A_134, %sign3A_141 : i32
      %rem3A = arith.remsi %scan3A_128, %jit3A : i32
      %ne3A_142 = arith.constant 0 : i32
      %ne3A_143 = arith.cmpi ne, %rem3A, %ne3A_142 : i32
      %and3A = arith.andi %ne3A, %ne3A_143 : i1
      %sub3A = arith.constant 1 : i32
      %sub3A_144 = arith.subi %div3A, %sub3A : i32
      %select_n3A = arith.select %and3A, %sub3A_144, %div3A : i32
      %mul3A_145 = arith.constant 32 : i32
      %mul3A_146 = arith.muli %select_n3A, %mul3A_145 : i32
      %sub3A_147 = arith.subi %scan3A_128, %mul3A_146 : i32
      %parallel_loop3A = arith.constant 0 : i32
      %parallel_loop3A_148 = arith.constant 768 : i32
      %parallel_loop3A_149 = arith.constant 16 : i32
      scf.for %parallel_loop3A_150 = %parallel_loop3A to %parallel_loop3A_148 step %parallel_loop3A_149  : i32 {
        %parallel_loop3A_151 = arith.index_cast %sub3A_147 : i32 to index
        %parallel_loop3A_152 = arith.index_cast %parallel_loop3A_150 : i32 to index
        %parallel_loop3A_153 = tpu.vector_load %arg5[%parallel_loop3A_151, %parallel_loop3A_152] {strides = array<i32>} : memref<32x768xf32, #tpu.memory_space<vmem>>, vector<1x16xf32>,
        %parallel_loop3A_154 = vector.shape_cast %parallel_loop3A_153 : vector<1x16xf32> to vector<16xf32>
        %parallel_loop3A_155 = arith.index_cast %select_n3A : i32 to index
        %parallel_loop3A_156 = arith.index_cast %sub3A_147 : i32 to index
        %parallel_loop3A_157 = arith.index_cast %parallel_loop3A_150 : i32 to index
        %parallel_loop3A_158 = tpu.vector_load %arg6[%parallel_loop3A_155, %parallel_loop3A_156, %parallel_loop3A_157] {strides = array<i32>} : memref<2x32x768xf32, #tpu.memory_space<vmem>>, vector<1x1x16xf32>,
        %parallel_loop3A_159 = vector.shape_cast %parallel_loop3A_158 : vector<1x1x16xf32> to vector<16xf32>
        %parallel_loop3A_160 = vector.shape_cast %parallel_loop3A_154 : vector<16xf32> to vector<1x1x16xf32>
        tpu.vector_store %arg6[%parallel_loop3A_155, %parallel_loop3A_156, %parallel_loop3A_157], %parallel_loop3A_160 {add = true, strides = array<i32>} : memref<2x32x768xf32, #tpu.memory_space<vmem>>, vector<1x1x16xf32>,
      } {sc.loop_unroll_factor = 16 : i64, sc.parallel_access}
    }
    %scan3A_91 = arith.constant 64 : i32
    %dma_start3A_92 = arith.constant 4 : i32
    %dma_start3A_93 = arith.constant 0 : i32
    %dma_start3A_94 = tpu.memref_slice %arg4[%dma_start3A_92, %mul3A_2, %dma_start3A_93] : memref<8x1024x768xf32, #tpu.memory_space<hbm>> -> memref<2x32x768xf32, #tpu.memory_space<hbm>>
    %dma_start3A_95 = arith.constant 4 : i32
    %dma_start3A_96 = arith.constant 0 : i32
    %dma_start3A_97 = tpu.memref_slice %arg4[%dma_start3A_95, %mul3A_2, %dma_start3A_96] : memref<8x1024x768xf32, #tpu.memory_space<hbm>> -> memref<2x32x768xf32, #tpu.memory_space<hbm>>
    tpu.enqueue_dma source(%arg6 : memref<2x32x768xf32, #tpu.memory_space<vmem>>) target(%dma_start3A_97 : memref<2x32x768xf32, #tpu.memory_space<hbm>>) target_semaphore(%arg11 : memref<!tpu.dma_semaphore, #tpu.memory_space<semaphore_mem>>)
    %dma_wait3A_98 = arith.constant 6 : i32
    %dma_wait3A_99 = arith.constant 0 : i32
    %dma_wait3A_100 = tpu.memref_slice %arg2[%dma_wait3A_98, %mul3A_2, %dma_wait3A_99] : memref<8x1024x768xf32, #tpu.memory_space<hbm>> -> memref<2x32x768xf32, #tpu.memory_space<hbm>>
    %dma_wait3A_101 = arith.constant 6 : i32
    %dma_wait3A_102 = arith.constant 0 : i32
    %dma_wait3A_103 = tpu.memref_slice %arg2[%dma_wait3A_101, %mul3A_2, %dma_wait3A_102] : memref<8x1024x768xf32, #tpu.memory_space<hbm>> -> memref<2x32x768xf32, #tpu.memory_space<hbm>>
    tpu.wait_dma2 semaphore(%arg10 : memref<!tpu.dma_semaphore, #tpu.memory_space<semaphore_mem>>) src(%dma_wait3A_103 : memref<2x32x768xf32, #tpu.memory_space<hbm>>) dst(%arg7 : memref<2x32x768xf32, #tpu.memory_space<vmem>>)
    %scan3A_104 = arith.constant 0 : i32
    %scan3A_105 = arith.constant 0 : i32
    %scan3A_106 = arith.constant 64 : i32
    %scan3A_107 = arith.addi %scan3A_105, %scan3A_106 : i32
    %scan3A_108 = arith.constant 1 : i32
    scf.for %scan3A_128 = %scan3A_105 to %scan3A_107 step %scan3A_108  : i32 {
      %jit3A = arith.constant 32 : i32
      %div3A = arith.divsi %scan3A_128, %jit3A : i32
      %sign3A = arith.constant 0 : i32
      %sign3A_129 = arith.cmpi sgt, %scan3A_128, %sign3A : i32
      %sign3A_130 = arith.extui %sign3A_129 : i1 to i32
      %sign3A_131 = arith.constant 0 : i32
      %sign3A_132 = arith.cmpi slt, %scan3A_128, %sign3A_131 : i32
      %sign3A_133 = arith.extui %sign3A_132 : i1 to i32
      %sign3A_134 = arith.subi %sign3A_130, %sign3A_133 : i32
      %sign3A_135 = arith.constant 0 : i32
      %sign3A_136 = arith.cmpi sgt, %jit3A, %sign3A_135 : i32
      %sign3A_137 = arith.extui %sign3A_136 : i1 to i32
      %sign3A_138 = arith.constant 0 : i32
      %sign3A_139 = arith.cmpi slt, %jit3A, %sign3A_138 : i32
      %sign3A_140 = arith.extui %sign3A_139 : i1 to i32
      %sign3A_141 = arith.subi %sign3A_137, %sign3A_140 : i32
      %ne3A = arith.cmpi ne, %sign3A_134, %sign3A_141 : i32
      %rem3A = arith.remsi %scan3A_128, %jit3A : i32
      %ne3A_142 = arith.constant 0 : i32
      %ne3A_143 = arith.cmpi ne, %rem3A, %ne3A_142 : i32
      %and3A = arith.andi %ne3A, %ne3A_143 : i1
      %sub3A = arith.constant 1 : i32
      %sub3A_144 = arith.subi %div3A, %sub3A : i32
      %select_n3A = arith.select %and3A, %sub3A_144, %div3A : i32
      %mul3A_145 = arith.constant 32 : i32
      %mul3A_146 = arith.muli %select_n3A, %mul3A_145 : i32
      %sub3A_147 = arith.subi %scan3A_128, %mul3A_146 : i32
      %parallel_loop3A = arith.constant 0 : i32
      %parallel_loop3A_148 = arith.constant 768 : i32
      %parallel_loop3A_149 = arith.constant 16 : i32
      scf.for %parallel_loop3A_150 = %parallel_loop3A to %parallel_loop3A_148 step %parallel_loop3A_149  : i32 {
        %parallel_loop3A_151 = arith.index_cast %sub3A_147 : i32 to index
        %parallel_loop3A_152 = arith.index_cast %parallel_loop3A_150 : i32 to index
        %parallel_loop3A_153 = tpu.vector_load %arg5[%parallel_loop3A_151, %parallel_loop3A_152] {strides = array<i32>} : memref<32x768xf32, #tpu.memory_space<vmem>>, vector<1x16xf32>,
        %parallel_loop3A_154 = vector.shape_cast %parallel_loop3A_153 : vector<1x16xf32> to vector<16xf32>
        %parallel_loop3A_155 = arith.index_cast %select_n3A : i32 to index
        %parallel_loop3A_156 = arith.index_cast %sub3A_147 : i32 to index
        %parallel_loop3A_157 = arith.index_cast %parallel_loop3A_150 : i32 to index
        %parallel_loop3A_158 = tpu.vector_load %arg7[%parallel_loop3A_155, %parallel_loop3A_156, %parallel_loop3A_157] {strides = array<i32>} : memref<2x32x768xf32, #tpu.memory_space<vmem>>, vector<1x1x16xf32>,
        %parallel_loop3A_159 = vector.shape_cast %parallel_loop3A_158 : vector<1x1x16xf32> to vector<16xf32>
        %parallel_loop3A_160 = vector.shape_cast %parallel_loop3A_154 : vector<16xf32> to vector<1x1x16xf32>
        tpu.vector_store %arg7[%parallel_loop3A_155, %parallel_loop3A_156, %parallel_loop3A_157], %parallel_loop3A_160 {add = true, strides = array<i32>} : memref<2x32x768xf32, #tpu.memory_space<vmem>>, vector<1x1x16xf32>,
      } {sc.loop_unroll_factor = 16 : i64, sc.parallel_access}
    }
    %scan3A_109 = arith.constant 64 : i32
    %dma_start3A_110 = arith.constant 6 : i32
    %dma_start3A_111 = arith.constant 0 : i32
    %dma_start3A_112 = tpu.memref_slice %arg4[%dma_start3A_110, %mul3A_2, %dma_start3A_111] : memref<8x1024x768xf32, #tpu.memory_space<hbm>> -> memref<2x32x768xf32, #tpu.memory_space<hbm>>
    %dma_start3A_113 = arith.constant 6 : i32
    %dma_start3A_114 = arith.constant 0 : i32
    %dma_start3A_115 = tpu.memref_slice %arg4[%dma_start3A_113, %mul3A_2, %dma_start3A_114] : memref<8x1024x768xf32, #tpu.memory_space<hbm>> -> memref<2x32x768xf32, #tpu.memory_space<hbm>>
    tpu.enqueue_dma source(%arg7 : memref<2x32x768xf32, #tpu.memory_space<vmem>>) target(%dma_start3A_115 : memref<2x32x768xf32, #tpu.memory_space<hbm>>) target_semaphore(%arg12 : memref<!tpu.dma_semaphore, #tpu.memory_space<semaphore_mem>>)
    %dma_wait3A_116 = arith.constant 4 : i32
    %dma_wait3A_117 = arith.constant 0 : i32
    %dma_wait3A_118 = tpu.memref_slice %arg4[%dma_wait3A_116, %mul3A_2, %dma_wait3A_117] : memref<8x1024x768xf32, #tpu.memory_space<hbm>> -> memref<2x32x768xf32, #tpu.memory_space<hbm>>
    %dma_wait3A_119 = arith.constant 4 : i32
    %dma_wait3A_120 = arith.constant 0 : i32
    %dma_wait3A_121 = tpu.memref_slice %arg4[%dma_wait3A_119, %mul3A_2, %dma_wait3A_120] : memref<8x1024x768xf32, #tpu.memory_space<hbm>> -> memref<2x32x768xf32, #tpu.memory_space<hbm>>
    tpu.wait_dma2 semaphore(%arg11 : memref<!tpu.dma_semaphore, #tpu.memory_space<semaphore_mem>>) src(%arg6 : memref<2x32x768xf32, #tpu.memory_space<vmem>>) dst(%dma_wait3A_121 : memref<2x32x768xf32, #tpu.memory_space<hbm>>)
    %dma_wait3A_122 = arith.constant 6 : i32
    %dma_wait3A_123 = arith.constant 0 : i32
    %dma_wait3A_124 = tpu.memref_slice %arg4[%dma_wait3A_122, %mul3A_2, %dma_wait3A_123] : memref<8x1024x768xf32, #tpu.memory_space<hbm>> -> memref<2x32x768xf32, #tpu.memory_space<hbm>>
    %dma_wait3A_125 = arith.constant 6 : i32
    %dma_wait3A_126 = arith.constant 0 : i32
    %dma_wait3A_127 = tpu.memref_slice %arg4[%dma_wait3A_125, %mul3A_2, %dma_wait3A_126] : memref<8x1024x768xf32, #tpu.memory_space<hbm>> -> memref<2x32x768xf32, #tpu.memory_space<hbm>>
    tpu.wait_dma2 semaphore(%arg12 : memref<!tpu.dma_semaphore, #tpu.memory_space<semaphore_mem>>) src(%arg7 : memref<2x32x768xf32, #tpu.memory_space<vmem>>) dst(%dma_wait3A_127 : memref<2x32x768xf32, #tpu.memory_space<hbm>>)
    return
  }
}

module attributes {stable_mosaic.version = 14 : i64} {
  func.func @_overlay_body(%arg0: i32, %arg1: memref<6x4xi32, #tpu.memory_space<smem>>, %arg2: memref<32x24576xbf16, #tpu.memory_space<vmem>>, %arg3: memref<32x24576xbf16, #tpu.memory_space<vmem>>, %arg4: memref<1024x768xf32, #tpu.memory_space<vmem>>) attributes {dimension_semantics = [#tpu.dimension_semantics<arbitrary>], iteration_bounds = array<i64: 1>, scalar_prefetch = 0 : i64, scratch_operands = 0 : i64, tpu.core_type = #tpu.core_type<tc>, window_params = [{transform_indices = @transform_0, window_bounds = array<i64: 6, 4>}, {pipeline_mode = #tpu.pipeline_mode<synchronous>, transform_indices = @transform_1, window_bounds = array<i64: 32, 24576>}, {pipeline_mode = #tpu.pipeline_mode<synchronous>, transform_indices = @transform_2, window_bounds = array<i64: 32, 24576>}, {pipeline_mode = #tpu.pipeline_mode<synchronous>, transform_indices = @transform_3, window_bounds = array<i64: 1024, 768>}]} {
    %iota3A = tpu.iota {dimensions = array<i32: 0>} : vector<32x32xi32>
    %iota3A_0 = tpu.iota {dimensions = array<i32: 1>} : vector<32x32xi32>
    %broadcast_in_dim3A = arith.constant 0.000000e+00 : f32
    %broadcast_in_dim3A_1 = vector.broadcast %broadcast_in_dim3A : f32 to vector<32x32xf32>
    %broadcast_in_dim3A_2 = arith.constant 0.000000e+00 : f32
    %broadcast_in_dim3A_3 = vector.broadcast %broadcast_in_dim3A_2 : f32 to vector<32x32x768xf32>
    %get3A = arith.constant 0 : index
    %get3A_4 = arith.constant 0 : index
    %get3A_5 = memref.load %arg1[%get3A, %get3A_4] : memref<6x4xi32, #tpu.memory_space<smem>>
    %get3A_6 = arith.constant 0 : index
    %get3A_7 = arith.constant 1 : index
    %get3A_8 = memref.load %arg1[%get3A_6, %get3A_7] : memref<6x4xi32, #tpu.memory_space<smem>>
    %get3A_9 = arith.constant 0 : index
    %get3A_10 = arith.constant 2 : index
    %get3A_11 = memref.load %arg1[%get3A_9, %get3A_10] : memref<6x4xi32, #tpu.memory_space<smem>>
    %get3A_12 = arith.constant 0 : index
    %get3A_13 = arith.constant 3 : index
    %get3A_14 = memref.load %arg1[%get3A_12, %get3A_13] : memref<6x4xi32, #tpu.memory_space<smem>>
    %ge3A = arith.constant 0 : i32
    %ge3A_15 = arith.cmpi sge, %get3A_5, %ge3A : i32
    %ge3A_16 = arith.constant 0 : i32
    %ge3A_17 = arith.cmpi sge, %get3A_8, %ge3A_16 : i32
    %and3A = arith.andi %ge3A_15, %ge3A_17 : i1
    %ge3A_18 = arith.constant 0 : i32
    %ge3A_19 = arith.cmpi sge, %get3A_11, %ge3A_18 : i32
    %and3A_20 = arith.andi %and3A, %ge3A_19 : i1
    %ge3A_21 = arith.constant 0 : i32
    %ge3A_22 = arith.cmpi sge, %get3A_14, %ge3A_21 : i32
    %and3A_23 = arith.andi %and3A_20, %ge3A_22 : i1
    %convert_element_type3A = arith.extui %and3A_23 : i1 to i32
    %convert_element_type3A_24 = arith.sitofp %convert_element_type3A : i32 to f32
    %convert_element_type3A_25 = arith.sitofp %get3A_5 : i32 to f32
    %mul3A = arith.constant 6.250000e-02 : f32
    %mul3A_26 = arith.mulf %convert_element_type3A_25, %mul3A : f32
    %floor3A = math.floor %mul3A_26 : f32
    %jit3A = arith.constant 0.000000e+00 : f32
    %jit3A_27 = arith.constant 3.100000e+01 : f32
    %max3A = arith.maximumf %jit3A, %floor3A : f32
    %min3A = arith.minimumf %jit3A_27, %max3A : f32
    %convert_element_type3A_28 = arith.sitofp %get3A_8 : i32 to f32
    %mul3A_29 = arith.constant 6.250000e-02 : f32
    %mul3A_30 = arith.mulf %convert_element_type3A_28, %mul3A_29 : f32
    %floor3A_31 = math.floor %mul3A_30 : f32
    %jit3A_32 = arith.constant 0.000000e+00 : f32
    %jit3A_33 = arith.constant 3.100000e+01 : f32
    %max3A_34 = arith.maximumf %jit3A_32, %floor3A_31 : f32
    %min3A_35 = arith.minimumf %jit3A_33, %max3A_34 : f32
    %convert_element_type3A_36 = arith.sitofp %get3A_11 : i32 to f32
    %mul3A_37 = arith.constant 6.250000e-02 : f32
    %mul3A_38 = arith.mulf %convert_element_type3A_36, %mul3A_37 : f32
    %floor3A_39 = math.floor %mul3A_38 : f32
    %jit3A_40 = arith.constant 0.000000e+00 : f32
    %jit3A_41 = arith.constant 3.100000e+01 : f32
    %max3A_42 = arith.maximumf %jit3A_40, %floor3A_39 : f32
    %min3A_43 = arith.minimumf %jit3A_41, %max3A_42 : f32
    %convert_element_type3A_44 = arith.sitofp %get3A_14 : i32 to f32
    %mul3A_45 = arith.constant 6.250000e-02 : f32
    %mul3A_46 = arith.mulf %convert_element_type3A_44, %mul3A_45 : f32
    %floor3A_47 = math.floor %mul3A_46 : f32
    %jit3A_48 = arith.constant 0.000000e+00 : f32
    %jit3A_49 = arith.constant 3.100000e+01 : f32
    %max3A_50 = arith.maximumf %jit3A_48, %floor3A_47 : f32
    %min3A_51 = arith.minimumf %jit3A_49, %max3A_50 : f32
    %min3A_52 = arith.minimumf %min3A, %min3A_43 : f32
    %convert_element_type3A_53 = arith.fptosi %min3A_52 : f32 to i32
    %max3A_54 = arith.maximumf %min3A, %min3A_43 : f32
    %convert_element_type3A_55 = arith.fptosi %max3A_54 : f32 to i32
    %min3A_56 = arith.minimumf %min3A_35, %min3A_51 : f32
    %convert_element_type3A_57 = arith.fptosi %min3A_56 : f32 to i32
    %max3A_58 = arith.maximumf %min3A_35, %min3A_51 : f32
    %convert_element_type3A_59 = arith.fptosi %max3A_58 : f32 to i32
    %ge3A_60 = vector.broadcast %convert_element_type3A_57 : i32 to vector<32x32xi32>
    %ge3A_61 = arith.cmpi sge, %iota3A, %ge3A_60 : vector<32x32xi32>
    %le3A = vector.broadcast %convert_element_type3A_59 : i32 to vector<32x32xi32>
    %le3A_62 = arith.cmpi sle, %iota3A, %le3A : vector<32x32xi32>
    %and3A_63 = arith.andi %ge3A_61, %le3A_62 : vector<32x32xi1>
    %ge3A_64 = vector.broadcast %convert_element_type3A_53 : i32 to vector<32x32xi32>
    %ge3A_65 = arith.cmpi sge, %iota3A_0, %ge3A_64 : vector<32x32xi32>
    %and3A_66 = arith.andi %and3A_63, %ge3A_65 : vector<32x32xi1>
    %le3A_67 = vector.broadcast %convert_element_type3A_55 : i32 to vector<32x32xi32>
    %le3A_68 = arith.cmpi sle, %iota3A_0, %le3A_67 : vector<32x32xi32>
    %and3A_69 = arith.andi %and3A_66, %le3A_68 : vector<32x32xi1>
    %convert_element_type3A_70 = arith.extui %and3A_69 : vector<32x32xi1> to vector<32x32xi32>
    %convert_element_type3A_71 = arith.sitofp %convert_element_type3A_70 : vector<32x32xi32> to vector<32x32xf32>
    %mul3A_72 = vector.broadcast %convert_element_type3A_24 : f32 to vector<32x32xf32>
    %mul3A_73 = arith.mulf %convert_element_type3A_71, %mul3A_72 : vector<32x32xf32>
    %sub3A = arith.constant 1.000000e+00 : f32
    %sub3A_74 = vector.broadcast %sub3A : f32 to vector<32x32xf32>
    %sub3A_75 = arith.subf %sub3A_74, %broadcast_in_dim3A_1 : vector<32x32xf32>
    %mul3A_76 = arith.mulf %mul3A_73, %sub3A_75 : vector<32x32xf32>
    %add3A = arith.addf %broadcast_in_dim3A_1, %mul3A_76 : vector<32x32xf32>
    %sub3A_77 = arith.subi %convert_element_type3A_55, %convert_element_type3A_53 : i32
    %add3A_78 = arith.constant 1 : i32
    %add3A_79 = arith.addi %sub3A_77, %add3A_78 : i32
    %convert_element_type3A_80 = arith.sitofp %add3A_79 : i32 to f32
    %div3A = arith.constant 3.200000e+01 : f32
    %div3A_81 = arith.divf %div3A, %convert_element_type3A_80 : f32
    %iota3A_82 = tpu.iota {dimensions = array<i32: 1>} : vector<32x32xi32>
    %iota3A_83 = tpu.iota {dimensions = array<i32: 0>} : vector<32x32xi32>
    %convert_element_type3A_84 = arith.sitofp %iota3A_83 : vector<32x32xi32> to vector<32x32xf32>
    %sub3A_85 = vector.broadcast %convert_element_type3A_53 : i32 to vector<32x32xi32>
    %sub3A_86 = arith.subi %iota3A_82, %sub3A_85 : vector<32x32xi32>
    %jit3A_87 = arith.constant 0 : i32
    %jit3A_88 = arith.constant 31 : i32
    %max3A_89 = vector.broadcast %jit3A_87 : i32 to vector<32x32xi32>
    %max3A_90 = arith.maxsi %max3A_89, %sub3A_86 : vector<32x32xi32>
    %min3A_91 = vector.broadcast %jit3A_88 : i32 to vector<32x32xi32>
    %min3A_92 = arith.minsi %min3A_91, %max3A_90 : vector<32x32xi32>
    %convert_element_type3A_93 = arith.sitofp %min3A_92 : vector<32x32xi32> to vector<32x32xf32>
    %add3A_94 = arith.constant 5.000000e-01 : f32
    %add3A_95 = vector.broadcast %add3A_94 : f32 to vector<32x32xf32>
    %add3A_96 = arith.addf %convert_element_type3A_93, %add3A_95 : vector<32x32xf32>
    %mul3A_97 = vector.broadcast %div3A_81 : f32 to vector<32x32xf32>
    %mul3A_98 = arith.mulf %add3A_96, %mul3A_97 : vector<32x32xf32>
    %sub3A_99 = arith.constant 5.000000e-01 : f32
    %sub3A_100 = vector.broadcast %sub3A_99 : f32 to vector<32x32xf32>
    %sub3A_101 = arith.subf %mul3A_98, %sub3A_100 : vector<32x32xf32>
    %sub3A_102 = arith.subf %sub3A_101, %convert_element_type3A_84 : vector<32x32xf32>
    %abs3A = math.absf %sub3A_102 : vector<32x32xf32>
    %div3A_103 = vector.broadcast %div3A_81 : f32 to vector<32x32xf32>
    %div3A_104 = arith.divf %abs3A, %div3A_103 : vector<32x32xf32>
    %sub3A_105 = arith.constant 1.000000e+00 : f32
    %sub3A_106 = vector.broadcast %sub3A_105 : f32 to vector<32x32xf32>
    %sub3A_107 = arith.subf %sub3A_106, %div3A_104 : vector<32x32xf32>
    %max3A_108 = arith.constant 0.000000e+00 : f32
    %max3A_109 = vector.broadcast %max3A_108 : f32 to vector<32x32xf32>
    %max3A_110 = arith.maximumf %max3A_109, %sub3A_107 : vector<32x32xf32>
    %reduce_sum3A = arith.constant dense<0.000000e+00> : vector<32xf32>
    %reduce_sum3A_111 = vector.multi_reduction <add>, %max3A_110, %reduce_sum3A [0] : vector<32x32xf32> to vector<32xf32>
    %broadcast_in_dim3A_112 = vector.shape_cast %reduce_sum3A_111 : vector<32xf32> to vector<1x32xf32>
    %abs3A_113 = math.absf %broadcast_in_dim3A_112 : vector<1x32xf32>
    %gt3A = arith.constant 1.1920929E-4 : f32
    %gt3A_114 = vector.broadcast %gt3A : f32 to vector<1x32xf32>
    %gt3A_115 = arith.cmpf ogt, %abs3A_113, %gt3A_114 : vector<1x32xf32>
    %ne3A = arith.constant 0.000000e+00 : f32
    %ne3A_116 = vector.broadcast %ne3A : f32 to vector<1x32xf32>
    %ne3A_117 = arith.cmpf one, %broadcast_in_dim3A_112, %ne3A_116 : vector<1x32xf32>
    %jit3A_118 = arith.constant 1.000000e+00 : f32
    %broadcast_in_dim3A_119 = vector.broadcast %jit3A_118 : f32 to vector<1x32xf32>
    %select_n3A = arith.select %ne3A_117, %broadcast_in_dim3A_112, %broadcast_in_dim3A_119 : vector<1x32xi1>, vector<1x32xf32>
    %div3A_120 = vector.broadcast %select_n3A : vector<1x32xf32> to vector<32x32xf32>
    %div3A_121 = arith.divf %max3A_110, %div3A_120 : vector<32x32xf32>
    %jit3A_122 = arith.constant 0.000000e+00 : f32
    %broadcast_in_dim3A_123 = vector.shape_cast %gt3A_115 : vector<1x32xi1> to vector<1x32xi1>
    %broadcast_in_dim3A_124 = vector.broadcast %broadcast_in_dim3A_123 : vector<1x32xi1> to vector<32x32xi1>
    %broadcast_in_dim3A_125 = vector.broadcast %jit3A_122 : f32 to vector<32x32xf32>
    %select_n3A_126 = arith.select %broadcast_in_dim3A_124, %div3A_121, %broadcast_in_dim3A_125 : vector<32x32xi1>, vector<32x32xf32>
    %ge3A_127 = arith.constant -5.000000e-01 : f32
    %ge3A_128 = vector.broadcast %ge3A_127 : f32 to vector<32x32xf32>
    %ge3A_129 = arith.cmpf oge, %sub3A_101, %ge3A_128 : vector<32x32xf32>
    %le3A_130 = arith.constant 3.150000e+01 : f32
    %le3A_131 = vector.broadcast %le3A_130 : f32 to vector<32x32xf32>
    %le3A_132 = arith.cmpf ole, %sub3A_101, %le3A_131 : vector<32x32xf32>
    %and3A_133 = arith.andi %ge3A_129, %le3A_132 : vector<32x32xi1>
    %jit3A_134 = arith.constant 0.000000e+00 : f32
    %broadcast_in_dim3A_135 = vector.broadcast %jit3A_134 : f32 to vector<32x32xf32>
    %select_n3A_136 = arith.select %and3A_133, %select_n3A_126, %broadcast_in_dim3A_135 : vector<32x32xi1>, vector<32x32xf32>
    %sub3A_137 = arith.subi %convert_element_type3A_59, %convert_element_type3A_57 : i32
    %add3A_138 = arith.constant 1 : i32
    %add3A_139 = arith.addi %sub3A_137, %add3A_138 : i32
    %convert_element_type3A_140 = arith.sitofp %add3A_139 : i32 to f32
    %div3A_141 = arith.constant 3.200000e+01 : f32
    %div3A_142 = arith.divf %div3A_141, %convert_element_type3A_140 : f32
    %iota3A_143 = tpu.iota {dimensions = array<i32: 1>} : vector<32x32xi32>
    %iota3A_144 = tpu.iota {dimensions = array<i32: 0>} : vector<32x32xi32>
    %convert_element_type3A_145 = arith.sitofp %iota3A_144 : vector<32x32xi32> to vector<32x32xf32>
    %sub3A_146 = vector.broadcast %convert_element_type3A_57 : i32 to vector<32x32xi32>
    %sub3A_147 = arith.subi %iota3A_143, %sub3A_146 : vector<32x32xi32>
    %jit3A_148 = arith.constant 0 : i32
    %jit3A_149 = arith.constant 31 : i32
    %max3A_150 = vector.broadcast %jit3A_148 : i32 to vector<32x32xi32>
    %max3A_151 = arith.maxsi %max3A_150, %sub3A_147 : vector<32x32xi32>
    %min3A_152 = vector.broadcast %jit3A_149 : i32 to vector<32x32xi32>
    %min3A_153 = arith.minsi %min3A_152, %max3A_151 : vector<32x32xi32>
    %convert_element_type3A_154 = arith.sitofp %min3A_153 : vector<32x32xi32> to vector<32x32xf32>
    %add3A_155 = arith.constant 5.000000e-01 : f32
    %add3A_156 = vector.broadcast %add3A_155 : f32 to vector<32x32xf32>
    %add3A_157 = arith.addf %convert_element_type3A_154, %add3A_156 : vector<32x32xf32>
    %mul3A_158 = vector.broadcast %div3A_142 : f32 to vector<32x32xf32>
    %mul3A_159 = arith.mulf %add3A_157, %mul3A_158 : vector<32x32xf32>
    %sub3A_160 = arith.constant 5.000000e-01 : f32
    %sub3A_161 = vector.broadcast %sub3A_160 : f32 to vector<32x32xf32>
    %sub3A_162 = arith.subf %mul3A_159, %sub3A_161 : vector<32x32xf32>
    %sub3A_163 = arith.subf %sub3A_162, %convert_element_type3A_145 : vector<32x32xf32>
    %abs3A_164 = math.absf %sub3A_163 : vector<32x32xf32>
    %div3A_165 = vector.broadcast %div3A_142 : f32 to vector<32x32xf32>
    %div3A_166 = arith.divf %abs3A_164, %div3A_165 : vector<32x32xf32>
    %sub3A_167 = arith.constant 1.000000e+00 : f32
    %sub3A_168 = vector.broadcast %sub3A_167 : f32 to vector<32x32xf32>
    %sub3A_169 = arith.subf %sub3A_168, %div3A_166 : vector<32x32xf32>
    %max3A_170 = arith.constant 0.000000e+00 : f32
    %max3A_171 = vector.broadcast %max3A_170 : f32 to vector<32x32xf32>
    %max3A_172 = arith.maximumf %max3A_171, %sub3A_169 : vector<32x32xf32>
    %reduce_sum3A_173 = arith.constant dense<0.000000e+00> : vector<32xf32>
    %reduce_sum3A_174 = vector.multi_reduction <add>, %max3A_172, %reduce_sum3A_173 [0] : vector<32x32xf32> to vector<32xf32>
    %broadcast_in_dim3A_175 = vector.shape_cast %reduce_sum3A_174 : vector<32xf32> to vector<1x32xf32>
    %abs3A_176 = math.absf %broadcast_in_dim3A_175 : vector<1x32xf32>
    %gt3A_177 = arith.constant 1.1920929E-4 : f32
    %gt3A_178 = vector.broadcast %gt3A_177 : f32 to vector<1x32xf32>
    %gt3A_179 = arith.cmpf ogt, %abs3A_176, %gt3A_178 : vector<1x32xf32>
    %ne3A_180 = arith.constant 0.000000e+00 : f32
    %ne3A_181 = vector.broadcast %ne3A_180 : f32 to vector<1x32xf32>
    %ne3A_182 = arith.cmpf one, %broadcast_in_dim3A_175, %ne3A_181 : vector<1x32xf32>
    %jit3A_183 = arith.constant 1.000000e+00 : f32
    %broadcast_in_dim3A_184 = vector.broadcast %jit3A_183 : f32 to vector<1x32xf32>
    %select_n3A_185 = arith.select %ne3A_182, %broadcast_in_dim3A_175, %broadcast_in_dim3A_184 : vector<1x32xi1>, vector<1x32xf32>
    %div3A_186 = vector.broadcast %select_n3A_185 : vector<1x32xf32> to vector<32x32xf32>
    %div3A_187 = arith.divf %max3A_172, %div3A_186 : vector<32x32xf32>
    %jit3A_188 = arith.constant 0.000000e+00 : f32
    %broadcast_in_dim3A_189 = vector.shape_cast %gt3A_179 : vector<1x32xi1> to vector<1x32xi1>
    %broadcast_in_dim3A_190 = vector.broadcast %broadcast_in_dim3A_189 : vector<1x32xi1> to vector<32x32xi1>
    %broadcast_in_dim3A_191 = vector.broadcast %jit3A_188 : f32 to vector<32x32xf32>
    %select_n3A_192 = arith.select %broadcast_in_dim3A_190, %div3A_187, %broadcast_in_dim3A_191 : vector<32x32xi1>, vector<32x32xf32>
    %ge3A_193 = arith.constant -5.000000e-01 : f32
    %ge3A_194 = vector.broadcast %ge3A_193 : f32 to vector<32x32xf32>
    %ge3A_195 = arith.cmpf oge, %sub3A_162, %ge3A_194 : vector<32x32xf32>
    %le3A_196 = arith.constant 3.150000e+01 : f32
    %le3A_197 = vector.broadcast %le3A_196 : f32 to vector<32x32xf32>
    %le3A_198 = arith.cmpf ole, %sub3A_162, %le3A_197 : vector<32x32xf32>
    %and3A_199 = arith.andi %ge3A_195, %le3A_198 : vector<32x32xi1>
    %jit3A_200 = arith.constant 0.000000e+00 : f32
    %broadcast_in_dim3A_201 = vector.broadcast %jit3A_200 : f32 to vector<32x32xf32>
    %select_n3A_202 = arith.select %and3A_199, %select_n3A_192, %broadcast_in_dim3A_201 : vector<32x32xi1>, vector<32x32xf32>
    %get3A_203 = arith.constant 1 : index
    %get3A_204 = arith.constant 0 : index
    %get3A_205 = memref.load %arg1[%get3A_203, %get3A_204] : memref<6x4xi32, #tpu.memory_space<smem>>
    %get3A_206 = arith.constant 1 : index
    %get3A_207 = arith.constant 1 : index
    %get3A_208 = memref.load %arg1[%get3A_206, %get3A_207] : memref<6x4xi32, #tpu.memory_space<smem>>
    %get3A_209 = arith.constant 1 : index
    %get3A_210 = arith.constant 2 : index
    %get3A_211 = memref.load %arg1[%get3A_209, %get3A_210] : memref<6x4xi32, #tpu.memory_space<smem>>
    %get3A_212 = arith.constant 1 : index
    %get3A_213 = arith.constant 3 : index
    %get3A_214 = memref.load %arg1[%get3A_212, %get3A_213] : memref<6x4xi32, #tpu.memory_space<smem>>
    %ge3A_215 = arith.constant 0 : i32
    %ge3A_216 = arith.cmpi sge, %get3A_205, %ge3A_215 : i32
    %ge3A_217 = arith.constant 0 : i32
    %ge3A_218 = arith.cmpi sge, %get3A_208, %ge3A_217 : i32
    %and3A_219 = arith.andi %ge3A_216, %ge3A_218 : i1
    %ge3A_220 = arith.constant 0 : i32
    %ge3A_221 = arith.cmpi sge, %get3A_211, %ge3A_220 : i32
    %and3A_222 = arith.andi %and3A_219, %ge3A_221 : i1
    %ge3A_223 = arith.constant 0 : i32
    %ge3A_224 = arith.cmpi sge, %get3A_214, %ge3A_223 : i32
    %and3A_225 = arith.andi %and3A_222, %ge3A_224 : i1
    %convert_element_type3A_226 = arith.extui %and3A_225 : i1 to i32
    %convert_element_type3A_227 = arith.sitofp %convert_element_type3A_226 : i32 to f32
    %convert_element_type3A_228 = arith.sitofp %get3A_205 : i32 to f32
    %mul3A_229 = arith.constant 6.250000e-02 : f32
    %mul3A_230 = arith.mulf %convert_element_type3A_228, %mul3A_229 : f32
    %floor3A_231 = math.floor %mul3A_230 : f32
    %jit3A_232 = arith.constant 0.000000e+00 : f32
    %jit3A_233 = arith.constant 3.100000e+01 : f32
    %max3A_234 = arith.maximumf %jit3A_232, %floor3A_231 : f32
    %min3A_235 = arith.minimumf %jit3A_233, %max3A_234 : f32
    %convert_element_type3A_236 = arith.sitofp %get3A_208 : i32 to f32
    %mul3A_237 = arith.constant 6.250000e-02 : f32
    %mul3A_238 = arith.mulf %convert_element_type3A_236, %mul3A_237 : f32
    %floor3A_239 = math.floor %mul3A_238 : f32
    %jit3A_240 = arith.constant 0.000000e+00 : f32
    %jit3A_241 = arith.constant 3.100000e+01 : f32
    %max3A_242 = arith.maximumf %jit3A_240, %floor3A_239 : f32
    %min3A_243 = arith.minimumf %jit3A_241, %max3A_242 : f32
    %convert_element_type3A_244 = arith.sitofp %get3A_211 : i32 to f32
    %mul3A_245 = arith.constant 6.250000e-02 : f32
    %mul3A_246 = arith.mulf %convert_element_type3A_244, %mul3A_245 : f32
    %floor3A_247 = math.floor %mul3A_246 : f32
    %jit3A_248 = arith.constant 0.000000e+00 : f32
    %jit3A_249 = arith.constant 3.100000e+01 : f32
    %max3A_250 = arith.maximumf %jit3A_248, %floor3A_247 : f32
    %min3A_251 = arith.minimumf %jit3A_249, %max3A_250 : f32
    %convert_element_type3A_252 = arith.sitofp %get3A_214 : i32 to f32
    %mul3A_253 = arith.constant 6.250000e-02 : f32
    %mul3A_254 = arith.mulf %convert_element_type3A_252, %mul3A_253 : f32
    %floor3A_255 = math.floor %mul3A_254 : f32
    %jit3A_256 = arith.constant 0.000000e+00 : f32
    %jit3A_257 = arith.constant 3.100000e+01 : f32
    %max3A_258 = arith.maximumf %jit3A_256, %floor3A_255 : f32
    %min3A_259 = arith.minimumf %jit3A_257, %max3A_258 : f32
    %min3A_260 = arith.minimumf %min3A_235, %min3A_251 : f32
    %convert_element_type3A_261 = arith.fptosi %min3A_260 : f32 to i32
    %max3A_262 = arith.maximumf %min3A_235, %min3A_251 : f32
    %convert_element_type3A_263 = arith.fptosi %max3A_262 : f32 to i32
    %min3A_264 = arith.minimumf %min3A_243, %min3A_259 : f32
    %convert_element_type3A_265 = arith.fptosi %min3A_264 : f32 to i32
    %max3A_266 = arith.maximumf %min3A_243, %min3A_259 : f32
    %convert_element_type3A_267 = arith.fptosi %max3A_266 : f32 to i32
    %ge3A_268 = vector.broadcast %convert_element_type3A_265 : i32 to vector<32x32xi32>
    %ge3A_269 = arith.cmpi sge, %iota3A, %ge3A_268 : vector<32x32xi32>
    %le3A_270 = vector.broadcast %convert_element_type3A_267 : i32 to vector<32x32xi32>
    %le3A_271 = arith.cmpi sle, %iota3A, %le3A_270 : vector<32x32xi32>
    %and3A_272 = arith.andi %ge3A_269, %le3A_271 : vector<32x32xi1>
    %ge3A_273 = vector.broadcast %convert_element_type3A_261 : i32 to vector<32x32xi32>
    %ge3A_274 = arith.cmpi sge, %iota3A_0, %ge3A_273 : vector<32x32xi32>
    %and3A_275 = arith.andi %and3A_272, %ge3A_274 : vector<32x32xi1>
    %le3A_276 = vector.broadcast %convert_element_type3A_263 : i32 to vector<32x32xi32>
    %le3A_277 = arith.cmpi sle, %iota3A_0, %le3A_276 : vector<32x32xi32>
    %and3A_278 = arith.andi %and3A_275, %le3A_277 : vector<32x32xi1>
    %convert_element_type3A_279 = arith.extui %and3A_278 : vector<32x32xi1> to vector<32x32xi32>
    %convert_element_type3A_280 = arith.sitofp %convert_element_type3A_279 : vector<32x32xi32> to vector<32x32xf32>
    %mul3A_281 = vector.broadcast %convert_element_type3A_227 : f32 to vector<32x32xf32>
    %mul3A_282 = arith.mulf %convert_element_type3A_280, %mul3A_281 : vector<32x32xf32>
    %sub3A_283 = arith.constant 1.000000e+00 : f32
    %sub3A_284 = vector.broadcast %sub3A_283 : f32 to vector<32x32xf32>
    %sub3A_285 = arith.subf %sub3A_284, %add3A : vector<32x32xf32>
    %mul3A_286 = arith.mulf %mul3A_282, %sub3A_285 : vector<32x32xf32>
    %add3A_287 = arith.addf %add3A, %mul3A_286 : vector<32x32xf32>
    %sub3A_288 = arith.subi %convert_element_type3A_263, %convert_element_type3A_261 : i32
    %add3A_289 = arith.constant 1 : i32
    %add3A_290 = arith.addi %sub3A_288, %add3A_289 : i32
    %convert_element_type3A_291 = arith.sitofp %add3A_290 : i32 to f32
    %div3A_292 = arith.constant 3.200000e+01 : f32
    %div3A_293 = arith.divf %div3A_292, %convert_element_type3A_291 : f32
    %iota3A_294 = tpu.iota {dimensions = array<i32: 1>} : vector<32x32xi32>
    %iota3A_295 = tpu.iota {dimensions = array<i32: 0>} : vector<32x32xi32>
    %convert_element_type3A_296 = arith.sitofp %iota3A_295 : vector<32x32xi32> to vector<32x32xf32>
    %sub3A_297 = vector.broadcast %convert_element_type3A_261 : i32 to vector<32x32xi32>
    %sub3A_298 = arith.subi %iota3A_294, %sub3A_297 : vector<32x32xi32>
    %jit3A_299 = arith.constant 0 : i32
    %jit3A_300 = arith.constant 31 : i32
    %max3A_301 = vector.broadcast %jit3A_299 : i32 to vector<32x32xi32>
    %max3A_302 = arith.maxsi %max3A_301, %sub3A_298 : vector<32x32xi32>
    %min3A_303 = vector.broadcast %jit3A_300 : i32 to vector<32x32xi32>
    %min3A_304 = arith.minsi %min3A_303, %max3A_302 : vector<32x32xi32>
    %convert_element_type3A_305 = arith.sitofp %min3A_304 : vector<32x32xi32> to vector<32x32xf32>
    %add3A_306 = arith.constant 5.000000e-01 : f32
    %add3A_307 = vector.broadcast %add3A_306 : f32 to vector<32x32xf32>
    %add3A_308 = arith.addf %convert_element_type3A_305, %add3A_307 : vector<32x32xf32>
    %mul3A_309 = vector.broadcast %div3A_293 : f32 to vector<32x32xf32>
    %mul3A_310 = arith.mulf %add3A_308, %mul3A_309 : vector<32x32xf32>
    %sub3A_311 = arith.constant 5.000000e-01 : f32
    %sub3A_312 = vector.broadcast %sub3A_311 : f32 to vector<32x32xf32>
    %sub3A_313 = arith.subf %mul3A_310, %sub3A_312 : vector<32x32xf32>
    %sub3A_314 = arith.subf %sub3A_313, %convert_element_type3A_296 : vector<32x32xf32>
    %abs3A_315 = math.absf %sub3A_314 : vector<32x32xf32>
    %div3A_316 = vector.broadcast %div3A_293 : f32 to vector<32x32xf32>
    %div3A_317 = arith.divf %abs3A_315, %div3A_316 : vector<32x32xf32>
    %sub3A_318 = arith.constant 1.000000e+00 : f32
    %sub3A_319 = vector.broadcast %sub3A_318 : f32 to vector<32x32xf32>
    %sub3A_320 = arith.subf %sub3A_319, %div3A_317 : vector<32x32xf32>
    %max3A_321 = arith.constant 0.000000e+00 : f32
    %max3A_322 = vector.broadcast %max3A_321 : f32 to vector<32x32xf32>
    %max3A_323 = arith.maximumf %max3A_322, %sub3A_320 : vector<32x32xf32>
    %reduce_sum3A_324 = arith.constant dense<0.000000e+00> : vector<32xf32>
    %reduce_sum3A_325 = vector.multi_reduction <add>, %max3A_323, %reduce_sum3A_324 [0] : vector<32x32xf32> to vector<32xf32>
    %broadcast_in_dim3A_326 = vector.shape_cast %reduce_sum3A_325 : vector<32xf32> to vector<1x32xf32>
    %abs3A_327 = math.absf %broadcast_in_dim3A_326 : vector<1x32xf32>
    %gt3A_328 = arith.constant 1.1920929E-4 : f32
    %gt3A_329 = vector.broadcast %gt3A_328 : f32 to vector<1x32xf32>
    %gt3A_330 = arith.cmpf ogt, %abs3A_327, %gt3A_329 : vector<1x32xf32>
    %ne3A_331 = arith.constant 0.000000e+00 : f32
    %ne3A_332 = vector.broadcast %ne3A_331 : f32 to vector<1x32xf32>
    %ne3A_333 = arith.cmpf one, %broadcast_in_dim3A_326, %ne3A_332 : vector<1x32xf32>
    %jit3A_334 = arith.constant 1.000000e+00 : f32
    %broadcast_in_dim3A_335 = vector.broadcast %jit3A_334 : f32 to vector<1x32xf32>
    %select_n3A_336 = arith.select %ne3A_333, %broadcast_in_dim3A_326, %broadcast_in_dim3A_335 : vector<1x32xi1>, vector<1x32xf32>
    %div3A_337 = vector.broadcast %select_n3A_336 : vector<1x32xf32> to vector<32x32xf32>
    %div3A_338 = arith.divf %max3A_323, %div3A_337 : vector<32x32xf32>
    %jit3A_339 = arith.constant 0.000000e+00 : f32
    %broadcast_in_dim3A_340 = vector.shape_cast %gt3A_330 : vector<1x32xi1> to vector<1x32xi1>
    %broadcast_in_dim3A_341 = vector.broadcast %broadcast_in_dim3A_340 : vector<1x32xi1> to vector<32x32xi1>
    %broadcast_in_dim3A_342 = vector.broadcast %jit3A_339 : f32 to vector<32x32xf32>
    %select_n3A_343 = arith.select %broadcast_in_dim3A_341, %div3A_338, %broadcast_in_dim3A_342 : vector<32x32xi1>, vector<32x32xf32>
    %ge3A_344 = arith.constant -5.000000e-01 : f32
    %ge3A_345 = vector.broadcast %ge3A_344 : f32 to vector<32x32xf32>
    %ge3A_346 = arith.cmpf oge, %sub3A_313, %ge3A_345 : vector<32x32xf32>
    %le3A_347 = arith.constant 3.150000e+01 : f32
    %le3A_348 = vector.broadcast %le3A_347 : f32 to vector<32x32xf32>
    %le3A_349 = arith.cmpf ole, %sub3A_313, %le3A_348 : vector<32x32xf32>
    %and3A_350 = arith.andi %ge3A_346, %le3A_349 : vector<32x32xi1>
    %jit3A_351 = arith.constant 0.000000e+00 : f32
    %broadcast_in_dim3A_352 = vector.broadcast %jit3A_351 : f32 to vector<32x32xf32>
    %select_n3A_353 = arith.select %and3A_350, %select_n3A_343, %broadcast_in_dim3A_352 : vector<32x32xi1>, vector<32x32xf32>
    %sub3A_354 = arith.subi %convert_element_type3A_267, %convert_element_type3A_265 : i32
    %add3A_355 = arith.constant 1 : i32
    %add3A_356 = arith.addi %sub3A_354, %add3A_355 : i32
    %convert_element_type3A_357 = arith.sitofp %add3A_356 : i32 to f32
    %div3A_358 = arith.constant 3.200000e+01 : f32
    %div3A_359 = arith.divf %div3A_358, %convert_element_type3A_357 : f32
    %iota3A_360 = tpu.iota {dimensions = array<i32: 1>} : vector<32x32xi32>
    %iota3A_361 = tpu.iota {dimensions = array<i32: 0>} : vector<32x32xi32>
    %convert_element_type3A_362 = arith.sitofp %iota3A_361 : vector<32x32xi32> to vector<32x32xf32>
    %sub3A_363 = vector.broadcast %convert_element_type3A_265 : i32 to vector<32x32xi32>
    %sub3A_364 = arith.subi %iota3A_360, %sub3A_363 : vector<32x32xi32>
    %jit3A_365 = arith.constant 0 : i32
    %jit3A_366 = arith.constant 31 : i32
    %max3A_367 = vector.broadcast %jit3A_365 : i32 to vector<32x32xi32>
    %max3A_368 = arith.maxsi %max3A_367, %sub3A_364 : vector<32x32xi32>
    %min3A_369 = vector.broadcast %jit3A_366 : i32 to vector<32x32xi32>
    %min3A_370 = arith.minsi %min3A_369, %max3A_368 : vector<32x32xi32>
    %convert_element_type3A_371 = arith.sitofp %min3A_370 : vector<32x32xi32> to vector<32x32xf32>
    %add3A_372 = arith.constant 5.000000e-01 : f32
    %add3A_373 = vector.broadcast %add3A_372 : f32 to vector<32x32xf32>
    %add3A_374 = arith.addf %convert_element_type3A_371, %add3A_373 : vector<32x32xf32>
    %mul3A_375 = vector.broadcast %div3A_359 : f32 to vector<32x32xf32>
    %mul3A_376 = arith.mulf %add3A_374, %mul3A_375 : vector<32x32xf32>
    %sub3A_377 = arith.constant 5.000000e-01 : f32
    %sub3A_378 = vector.broadcast %sub3A_377 : f32 to vector<32x32xf32>
    %sub3A_379 = arith.subf %mul3A_376, %sub3A_378 : vector<32x32xf32>
    %sub3A_380 = arith.subf %sub3A_379, %convert_element_type3A_362 : vector<32x32xf32>
    %abs3A_381 = math.absf %sub3A_380 : vector<32x32xf32>
    %div3A_382 = vector.broadcast %div3A_359 : f32 to vector<32x32xf32>
    %div3A_383 = arith.divf %abs3A_381, %div3A_382 : vector<32x32xf32>
    %sub3A_384 = arith.constant 1.000000e+00 : f32
    %sub3A_385 = vector.broadcast %sub3A_384 : f32 to vector<32x32xf32>
    %sub3A_386 = arith.subf %sub3A_385, %div3A_383 : vector<32x32xf32>
    %max3A_387 = arith.constant 0.000000e+00 : f32
    %max3A_388 = vector.broadcast %max3A_387 : f32 to vector<32x32xf32>
    %max3A_389 = arith.maximumf %max3A_388, %sub3A_386 : vector<32x32xf32>
    %reduce_sum3A_390 = arith.constant dense<0.000000e+00> : vector<32xf32>
    %reduce_sum3A_391 = vector.multi_reduction <add>, %max3A_389, %reduce_sum3A_390 [0] : vector<32x32xf32> to vector<32xf32>
    %broadcast_in_dim3A_392 = vector.shape_cast %reduce_sum3A_391 : vector<32xf32> to vector<1x32xf32>
    %abs3A_393 = math.absf %broadcast_in_dim3A_392 : vector<1x32xf32>
    %gt3A_394 = arith.constant 1.1920929E-4 : f32
    %gt3A_395 = vector.broadcast %gt3A_394 : f32 to vector<1x32xf32>
    %gt3A_396 = arith.cmpf ogt, %abs3A_393, %gt3A_395 : vector<1x32xf32>
    %ne3A_397 = arith.constant 0.000000e+00 : f32
    %ne3A_398 = vector.broadcast %ne3A_397 : f32 to vector<1x32xf32>
    %ne3A_399 = arith.cmpf one, %broadcast_in_dim3A_392, %ne3A_398 : vector<1x32xf32>
    %jit3A_400 = arith.constant 1.000000e+00 : f32
    %broadcast_in_dim3A_401 = vector.broadcast %jit3A_400 : f32 to vector<1x32xf32>
    %select_n3A_402 = arith.select %ne3A_399, %broadcast_in_dim3A_392, %broadcast_in_dim3A_401 : vector<1x32xi1>, vector<1x32xf32>
    %div3A_403 = vector.broadcast %select_n3A_402 : vector<1x32xf32> to vector<32x32xf32>
    %div3A_404 = arith.divf %max3A_389, %div3A_403 : vector<32x32xf32>
    %jit3A_405 = arith.constant 0.000000e+00 : f32
    %broadcast_in_dim3A_406 = vector.shape_cast %gt3A_396 : vector<1x32xi1> to vector<1x32xi1>
    %broadcast_in_dim3A_407 = vector.broadcast %broadcast_in_dim3A_406 : vector<1x32xi1> to vector<32x32xi1>
    %broadcast_in_dim3A_408 = vector.broadcast %jit3A_405 : f32 to vector<32x32xf32>
    %select_n3A_409 = arith.select %broadcast_in_dim3A_407, %div3A_404, %broadcast_in_dim3A_408 : vector<32x32xi1>, vector<32x32xf32>
    %ge3A_410 = arith.constant -5.000000e-01 : f32
    %ge3A_411 = vector.broadcast %ge3A_410 : f32 to vector<32x32xf32>
    %ge3A_412 = arith.cmpf oge, %sub3A_379, %ge3A_411 : vector<32x32xf32>
    %le3A_413 = arith.constant 3.150000e+01 : f32
    %le3A_414 = vector.broadcast %le3A_413 : f32 to vector<32x32xf32>
    %le3A_415 = arith.cmpf ole, %sub3A_379, %le3A_414 : vector<32x32xf32>
    %and3A_416 = arith.andi %ge3A_412, %le3A_415 : vector<32x32xi1>
    %jit3A_417 = arith.constant 0.000000e+00 : f32
    %broadcast_in_dim3A_418 = vector.broadcast %jit3A_417 : f32 to vector<32x32xf32>
    %select_n3A_419 = arith.select %and3A_416, %select_n3A_409, %broadcast_in_dim3A_418 : vector<32x32xi1>, vector<32x32xf32>
    %get3A_420 = arith.constant 2 : index
    %get3A_421 = arith.constant 0 : index
    %get3A_422 = memref.load %arg1[%get3A_420, %get3A_421] : memref<6x4xi32, #tpu.memory_space<smem>>
    %get3A_423 = arith.constant 2 : index
    %get3A_424 = arith.constant 1 : index
    %get3A_425 = memref.load %arg1[%get3A_423, %get3A_424] : memref<6x4xi32, #tpu.memory_space<smem>>
    %get3A_426 = arith.constant 2 : index
    %get3A_427 = arith.constant 2 : index
    %get3A_428 = memref.load %arg1[%get3A_426, %get3A_427] : memref<6x4xi32, #tpu.memory_space<smem>>
    %get3A_429 = arith.constant 2 : index
    %get3A_430 = arith.constant 3 : index
    %get3A_431 = memref.load %arg1[%get3A_429, %get3A_430] : memref<6x4xi32, #tpu.memory_space<smem>>
    %ge3A_432 = arith.constant 0 : i32
    %ge3A_433 = arith.cmpi sge, %get3A_422, %ge3A_432 : i32
    %ge3A_434 = arith.constant 0 : i32
    %ge3A_435 = arith.cmpi sge, %get3A_425, %ge3A_434 : i32
    %and3A_436 = arith.andi %ge3A_433, %ge3A_435 : i1
    %ge3A_437 = arith.constant 0 : i32
    %ge3A_438 = arith.cmpi sge, %get3A_428, %ge3A_437 : i32
    %and3A_439 = arith.andi %and3A_436, %ge3A_438 : i1
    %ge3A_440 = arith.constant 0 : i32
    %ge3A_441 = arith.cmpi sge, %get3A_431, %ge3A_440 : i32
    %and3A_442 = arith.andi %and3A_439, %ge3A_441 : i1
    %convert_element_type3A_443 = arith.extui %and3A_442 : i1 to i32
    %convert_element_type3A_444 = arith.sitofp %convert_element_type3A_443 : i32 to f32
    %convert_element_type3A_445 = arith.sitofp %get3A_422 : i32 to f32
    %mul3A_446 = arith.constant 6.250000e-02 : f32
    %mul3A_447 = arith.mulf %convert_element_type3A_445, %mul3A_446 : f32
    %floor3A_448 = math.floor %mul3A_447 : f32
    %jit3A_449 = arith.constant 0.000000e+00 : f32
    %jit3A_450 = arith.constant 3.100000e+01 : f32
    %max3A_451 = arith.maximumf %jit3A_449, %floor3A_448 : f32
    %min3A_452 = arith.minimumf %jit3A_450, %max3A_451 : f32
    %convert_element_type3A_453 = arith.sitofp %get3A_425 : i32 to f32
    %mul3A_454 = arith.constant 6.250000e-02 : f32
    %mul3A_455 = arith.mulf %convert_element_type3A_453, %mul3A_454 : f32
    %floor3A_456 = math.floor %mul3A_455 : f32
    %jit3A_457 = arith.constant 0.000000e+00 : f32
    %jit3A_458 = arith.constant 3.100000e+01 : f32
    %max3A_459 = arith.maximumf %jit3A_457, %floor3A_456 : f32
    %min3A_460 = arith.minimumf %jit3A_458, %max3A_459 : f32
    %convert_element_type3A_461 = arith.sitofp %get3A_428 : i32 to f32
    %mul3A_462 = arith.constant 6.250000e-02 : f32
    %mul3A_463 = arith.mulf %convert_element_type3A_461, %mul3A_462 : f32
    %floor3A_464 = math.floor %mul3A_463 : f32
    %jit3A_465 = arith.constant 0.000000e+00 : f32
    %jit3A_466 = arith.constant 3.100000e+01 : f32
    %max3A_467 = arith.maximumf %jit3A_465, %floor3A_464 : f32
    %min3A_468 = arith.minimumf %jit3A_466, %max3A_467 : f32
    %convert_element_type3A_469 = arith.sitofp %get3A_431 : i32 to f32
    %mul3A_470 = arith.constant 6.250000e-02 : f32
    %mul3A_471 = arith.mulf %convert_element_type3A_469, %mul3A_470 : f32
    %floor3A_472 = math.floor %mul3A_471 : f32
    %jit3A_473 = arith.constant 0.000000e+00 : f32
    %jit3A_474 = arith.constant 3.100000e+01 : f32
    %max3A_475 = arith.maximumf %jit3A_473, %floor3A_472 : f32
    %min3A_476 = arith.minimumf %jit3A_474, %max3A_475 : f32
    %min3A_477 = arith.minimumf %min3A_452, %min3A_468 : f32
    %convert_element_type3A_478 = arith.fptosi %min3A_477 : f32 to i32
    %max3A_479 = arith.maximumf %min3A_452, %min3A_468 : f32
    %convert_element_type3A_480 = arith.fptosi %max3A_479 : f32 to i32
    %min3A_481 = arith.minimumf %min3A_460, %min3A_476 : f32
    %convert_element_type3A_482 = arith.fptosi %min3A_481 : f32 to i32
    %max3A_483 = arith.maximumf %min3A_460, %min3A_476 : f32
    %convert_element_type3A_484 = arith.fptosi %max3A_483 : f32 to i32
    %ge3A_485 = vector.broadcast %convert_element_type3A_482 : i32 to vector<32x32xi32>
    %ge3A_486 = arith.cmpi sge, %iota3A, %ge3A_485 : vector<32x32xi32>
    %le3A_487 = vector.broadcast %convert_element_type3A_484 : i32 to vector<32x32xi32>
    %le3A_488 = arith.cmpi sle, %iota3A, %le3A_487 : vector<32x32xi32>
    %and3A_489 = arith.andi %ge3A_486, %le3A_488 : vector<32x32xi1>
    %ge3A_490 = vector.broadcast %convert_element_type3A_478 : i32 to vector<32x32xi32>
    %ge3A_491 = arith.cmpi sge, %iota3A_0, %ge3A_490 : vector<32x32xi32>
    %and3A_492 = arith.andi %and3A_489, %ge3A_491 : vector<32x32xi1>
    %le3A_493 = vector.broadcast %convert_element_type3A_480 : i32 to vector<32x32xi32>
    %le3A_494 = arith.cmpi sle, %iota3A_0, %le3A_493 : vector<32x32xi32>
    %and3A_495 = arith.andi %and3A_492, %le3A_494 : vector<32x32xi1>
    %convert_element_type3A_496 = arith.extui %and3A_495 : vector<32x32xi1> to vector<32x32xi32>
    %convert_element_type3A_497 = arith.sitofp %convert_element_type3A_496 : vector<32x32xi32> to vector<32x32xf32>
    %mul3A_498 = vector.broadcast %convert_element_type3A_444 : f32 to vector<32x32xf32>
    %mul3A_499 = arith.mulf %convert_element_type3A_497, %mul3A_498 : vector<32x32xf32>
    %sub3A_500 = arith.constant 1.000000e+00 : f32
    %sub3A_501 = vector.broadcast %sub3A_500 : f32 to vector<32x32xf32>
    %sub3A_502 = arith.subf %sub3A_501, %add3A_287 : vector<32x32xf32>
    %mul3A_503 = arith.mulf %mul3A_499, %sub3A_502 : vector<32x32xf32>
    %add3A_504 = arith.addf %add3A_287, %mul3A_503 : vector<32x32xf32>
    %sub3A_505 = arith.subi %convert_element_type3A_480, %convert_element_type3A_478 : i32
    %add3A_506 = arith.constant 1 : i32
    %add3A_507 = arith.addi %sub3A_505, %add3A_506 : i32
    %convert_element_type3A_508 = arith.sitofp %add3A_507 : i32 to f32
    %div3A_509 = arith.constant 3.200000e+01 : f32
    %div3A_510 = arith.divf %div3A_509, %convert_element_type3A_508 : f32
    %iota3A_511 = tpu.iota {dimensions = array<i32: 1>} : vector<32x32xi32>
    %iota3A_512 = tpu.iota {dimensions = array<i32: 0>} : vector<32x32xi32>
    %convert_element_type3A_513 = arith.sitofp %iota3A_512 : vector<32x32xi32> to vector<32x32xf32>
    %sub3A_514 = vector.broadcast %convert_element_type3A_478 : i32 to vector<32x32xi32>
    %sub3A_515 = arith.subi %iota3A_511, %sub3A_514 : vector<32x32xi32>
    %jit3A_516 = arith.constant 0 : i32
    %jit3A_517 = arith.constant 31 : i32
    %max3A_518 = vector.broadcast %jit3A_516 : i32 to vector<32x32xi32>
    %max3A_519 = arith.maxsi %max3A_518, %sub3A_515 : vector<32x32xi32>
    %min3A_520 = vector.broadcast %jit3A_517 : i32 to vector<32x32xi32>
    %min3A_521 = arith.minsi %min3A_520, %max3A_519 : vector<32x32xi32>
    %convert_element_type3A_522 = arith.sitofp %min3A_521 : vector<32x32xi32> to vector<32x32xf32>
    %add3A_523 = arith.constant 5.000000e-01 : f32
    %add3A_524 = vector.broadcast %add3A_523 : f32 to vector<32x32xf32>
    %add3A_525 = arith.addf %convert_element_type3A_522, %add3A_524 : vector<32x32xf32>
    %mul3A_526 = vector.broadcast %div3A_510 : f32 to vector<32x32xf32>
    %mul3A_527 = arith.mulf %add3A_525, %mul3A_526 : vector<32x32xf32>
    %sub3A_528 = arith.constant 5.000000e-01 : f32
    %sub3A_529 = vector.broadcast %sub3A_528 : f32 to vector<32x32xf32>
    %sub3A_530 = arith.subf %mul3A_527, %sub3A_529 : vector<32x32xf32>
    %sub3A_531 = arith.subf %sub3A_530, %convert_element_type3A_513 : vector<32x32xf32>
    %abs3A_532 = math.absf %sub3A_531 : vector<32x32xf32>
    %div3A_533 = vector.broadcast %div3A_510 : f32 to vector<32x32xf32>
    %div3A_534 = arith.divf %abs3A_532, %div3A_533 : vector<32x32xf32>
    %sub3A_535 = arith.constant 1.000000e+00 : f32
    %sub3A_536 = vector.broadcast %sub3A_535 : f32 to vector<32x32xf32>
    %sub3A_537 = arith.subf %sub3A_536, %div3A_534 : vector<32x32xf32>
    %max3A_538 = arith.constant 0.000000e+00 : f32
    %max3A_539 = vector.broadcast %max3A_538 : f32 to vector<32x32xf32>
    %max3A_540 = arith.maximumf %max3A_539, %sub3A_537 : vector<32x32xf32>
    %reduce_sum3A_541 = arith.constant dense<0.000000e+00> : vector<32xf32>
    %reduce_sum3A_542 = vector.multi_reduction <add>, %max3A_540, %reduce_sum3A_541 [0] : vector<32x32xf32> to vector<32xf32>
    %broadcast_in_dim3A_543 = vector.shape_cast %reduce_sum3A_542 : vector<32xf32> to vector<1x32xf32>
    %abs3A_544 = math.absf %broadcast_in_dim3A_543 : vector<1x32xf32>
    %gt3A_545 = arith.constant 1.1920929E-4 : f32
    %gt3A_546 = vector.broadcast %gt3A_545 : f32 to vector<1x32xf32>
    %gt3A_547 = arith.cmpf ogt, %abs3A_544, %gt3A_546 : vector<1x32xf32>
    %ne3A_548 = arith.constant 0.000000e+00 : f32
    %ne3A_549 = vector.broadcast %ne3A_548 : f32 to vector<1x32xf32>
    %ne3A_550 = arith.cmpf one, %broadcast_in_dim3A_543, %ne3A_549 : vector<1x32xf32>
    %jit3A_551 = arith.constant 1.000000e+00 : f32
    %broadcast_in_dim3A_552 = vector.broadcast %jit3A_551 : f32 to vector<1x32xf32>
    %select_n3A_553 = arith.select %ne3A_550, %broadcast_in_dim3A_543, %broadcast_in_dim3A_552 : vector<1x32xi1>, vector<1x32xf32>
    %div3A_554 = vector.broadcast %select_n3A_553 : vector<1x32xf32> to vector<32x32xf32>
    %div3A_555 = arith.divf %max3A_540, %div3A_554 : vector<32x32xf32>
    %jit3A_556 = arith.constant 0.000000e+00 : f32
    %broadcast_in_dim3A_557 = vector.shape_cast %gt3A_547 : vector<1x32xi1> to vector<1x32xi1>
    %broadcast_in_dim3A_558 = vector.broadcast %broadcast_in_dim3A_557 : vector<1x32xi1> to vector<32x32xi1>
    %broadcast_in_dim3A_559 = vector.broadcast %jit3A_556 : f32 to vector<32x32xf32>
    %select_n3A_560 = arith.select %broadcast_in_dim3A_558, %div3A_555, %broadcast_in_dim3A_559 : vector<32x32xi1>, vector<32x32xf32>
    %ge3A_561 = arith.constant -5.000000e-01 : f32
    %ge3A_562 = vector.broadcast %ge3A_561 : f32 to vector<32x32xf32>
    %ge3A_563 = arith.cmpf oge, %sub3A_530, %ge3A_562 : vector<32x32xf32>
    %le3A_564 = arith.constant 3.150000e+01 : f32
    %le3A_565 = vector.broadcast %le3A_564 : f32 to vector<32x32xf32>
    %le3A_566 = arith.cmpf ole, %sub3A_530, %le3A_565 : vector<32x32xf32>
    %and3A_567 = arith.andi %ge3A_563, %le3A_566 : vector<32x32xi1>
    %jit3A_568 = arith.constant 0.000000e+00 : f32
    %broadcast_in_dim3A_569 = vector.broadcast %jit3A_568 : f32 to vector<32x32xf32>
    %select_n3A_570 = arith.select %and3A_567, %select_n3A_560, %broadcast_in_dim3A_569 : vector<32x32xi1>, vector<32x32xf32>
    %sub3A_571 = arith.subi %convert_element_type3A_484, %convert_element_type3A_482 : i32
    %add3A_572 = arith.constant 1 : i32
    %add3A_573 = arith.addi %sub3A_571, %add3A_572 : i32
    %convert_element_type3A_574 = arith.sitofp %add3A_573 : i32 to f32
    %div3A_575 = arith.constant 3.200000e+01 : f32
    %div3A_576 = arith.divf %div3A_575, %convert_element_type3A_574 : f32
    %iota3A_577 = tpu.iota {dimensions = array<i32: 1>} : vector<32x32xi32>
    %iota3A_578 = tpu.iota {dimensions = array<i32: 0>} : vector<32x32xi32>
    %convert_element_type3A_579 = arith.sitofp %iota3A_578 : vector<32x32xi32> to vector<32x32xf32>
    %sub3A_580 = vector.broadcast %convert_element_type3A_482 : i32 to vector<32x32xi32>
    %sub3A_581 = arith.subi %iota3A_577, %sub3A_580 : vector<32x32xi32>
    %jit3A_582 = arith.constant 0 : i32
    %jit3A_583 = arith.constant 31 : i32
    %max3A_584 = vector.broadcast %jit3A_582 : i32 to vector<32x32xi32>
    %max3A_585 = arith.maxsi %max3A_584, %sub3A_581 : vector<32x32xi32>
    %min3A_586 = vector.broadcast %jit3A_583 : i32 to vector<32x32xi32>
    %min3A_587 = arith.minsi %min3A_586, %max3A_585 : vector<32x32xi32>
    %convert_element_type3A_588 = arith.sitofp %min3A_587 : vector<32x32xi32> to vector<32x32xf32>
    %add3A_589 = arith.constant 5.000000e-01 : f32
    %add3A_590 = vector.broadcast %add3A_589 : f32 to vector<32x32xf32>
    %add3A_591 = arith.addf %convert_element_type3A_588, %add3A_590 : vector<32x32xf32>
    %mul3A_592 = vector.broadcast %div3A_576 : f32 to vector<32x32xf32>
    %mul3A_593 = arith.mulf %add3A_591, %mul3A_592 : vector<32x32xf32>
    %sub3A_594 = arith.constant 5.000000e-01 : f32
    %sub3A_595 = vector.broadcast %sub3A_594 : f32 to vector<32x32xf32>
    %sub3A_596 = arith.subf %mul3A_593, %sub3A_595 : vector<32x32xf32>
    %sub3A_597 = arith.subf %sub3A_596, %convert_element_type3A_579 : vector<32x32xf32>
    %abs3A_598 = math.absf %sub3A_597 : vector<32x32xf32>
    %div3A_599 = vector.broadcast %div3A_576 : f32 to vector<32x32xf32>
    %div3A_600 = arith.divf %abs3A_598, %div3A_599 : vector<32x32xf32>
    %sub3A_601 = arith.constant 1.000000e+00 : f32
    %sub3A_602 = vector.broadcast %sub3A_601 : f32 to vector<32x32xf32>
    %sub3A_603 = arith.subf %sub3A_602, %div3A_600 : vector<32x32xf32>
    %max3A_604 = arith.constant 0.000000e+00 : f32
    %max3A_605 = vector.broadcast %max3A_604 : f32 to vector<32x32xf32>
    %max3A_606 = arith.maximumf %max3A_605, %sub3A_603 : vector<32x32xf32>
    %reduce_sum3A_607 = arith.constant dense<0.000000e+00> : vector<32xf32>
    %reduce_sum3A_608 = vector.multi_reduction <add>, %max3A_606, %reduce_sum3A_607 [0] : vector<32x32xf32> to vector<32xf32>
    %broadcast_in_dim3A_609 = vector.shape_cast %reduce_sum3A_608 : vector<32xf32> to vector<1x32xf32>
    %abs3A_610 = math.absf %broadcast_in_dim3A_609 : vector<1x32xf32>
    %gt3A_611 = arith.constant 1.1920929E-4 : f32
    %gt3A_612 = vector.broadcast %gt3A_611 : f32 to vector<1x32xf32>
    %gt3A_613 = arith.cmpf ogt, %abs3A_610, %gt3A_612 : vector<1x32xf32>
    %ne3A_614 = arith.constant 0.000000e+00 : f32
    %ne3A_615 = vector.broadcast %ne3A_614 : f32 to vector<1x32xf32>
    %ne3A_616 = arith.cmpf one, %broadcast_in_dim3A_609, %ne3A_615 : vector<1x32xf32>
    %jit3A_617 = arith.constant 1.000000e+00 : f32
    %broadcast_in_dim3A_618 = vector.broadcast %jit3A_617 : f32 to vector<1x32xf32>
    %select_n3A_619 = arith.select %ne3A_616, %broadcast_in_dim3A_609, %broadcast_in_dim3A_618 : vector<1x32xi1>, vector<1x32xf32>
    %div3A_620 = vector.broadcast %select_n3A_619 : vector<1x32xf32> to vector<32x32xf32>
    %div3A_621 = arith.divf %max3A_606, %div3A_620 : vector<32x32xf32>
    %jit3A_622 = arith.constant 0.000000e+00 : f32
    %broadcast_in_dim3A_623 = vector.shape_cast %gt3A_613 : vector<1x32xi1> to vector<1x32xi1>
    %broadcast_in_dim3A_624 = vector.broadcast %broadcast_in_dim3A_623 : vector<1x32xi1> to vector<32x32xi1>
    %broadcast_in_dim3A_625 = vector.broadcast %jit3A_622 : f32 to vector<32x32xf32>
    %select_n3A_626 = arith.select %broadcast_in_dim3A_624, %div3A_621, %broadcast_in_dim3A_625 : vector<32x32xi1>, vector<32x32xf32>
    %ge3A_627 = arith.constant -5.000000e-01 : f32
    %ge3A_628 = vector.broadcast %ge3A_627 : f32 to vector<32x32xf32>
    %ge3A_629 = arith.cmpf oge, %sub3A_596, %ge3A_628 : vector<32x32xf32>
    %le3A_630 = arith.constant 3.150000e+01 : f32
    %le3A_631 = vector.broadcast %le3A_630 : f32 to vector<32x32xf32>
    %le3A_632 = arith.cmpf ole, %sub3A_596, %le3A_631 : vector<32x32xf32>
    %and3A_633 = arith.andi %ge3A_629, %le3A_632 : vector<32x32xi1>
    %jit3A_634 = arith.constant 0.000000e+00 : f32
    %broadcast_in_dim3A_635 = vector.broadcast %jit3A_634 : f32 to vector<32x32xf32>
    %select_n3A_636 = arith.select %and3A_633, %select_n3A_626, %broadcast_in_dim3A_635 : vector<32x32xi1>, vector<32x32xf32>
    %get3A_637 = arith.constant 3 : index
    %get3A_638 = arith.constant 0 : index
    %get3A_639 = memref.load %arg1[%get3A_637, %get3A_638] : memref<6x4xi32, #tpu.memory_space<smem>>
    %get3A_640 = arith.constant 3 : index
    %get3A_641 = arith.constant 1 : index
    %get3A_642 = memref.load %arg1[%get3A_640, %get3A_641] : memref<6x4xi32, #tpu.memory_space<smem>>
    %get3A_643 = arith.constant 3 : index
    %get3A_644 = arith.constant 2 : index
    %get3A_645 = memref.load %arg1[%get3A_643, %get3A_644] : memref<6x4xi32, #tpu.memory_space<smem>>
    %get3A_646 = arith.constant 3 : index
    %get3A_647 = arith.constant 3 : index
    %get3A_648 = memref.load %arg1[%get3A_646, %get3A_647] : memref<6x4xi32, #tpu.memory_space<smem>>
    %ge3A_649 = arith.constant 0 : i32
    %ge3A_650 = arith.cmpi sge, %get3A_639, %ge3A_649 : i32
    %ge3A_651 = arith.constant 0 : i32
    %ge3A_652 = arith.cmpi sge, %get3A_642, %ge3A_651 : i32
    %and3A_653 = arith.andi %ge3A_650, %ge3A_652 : i1
    %ge3A_654 = arith.constant 0 : i32
    %ge3A_655 = arith.cmpi sge, %get3A_645, %ge3A_654 : i32
    %and3A_656 = arith.andi %and3A_653, %ge3A_655 : i1
    %ge3A_657 = arith.constant 0 : i32
    %ge3A_658 = arith.cmpi sge, %get3A_648, %ge3A_657 : i32
    %and3A_659 = arith.andi %and3A_656, %ge3A_658 : i1
    %convert_element_type3A_660 = arith.extui %and3A_659 : i1 to i32
    %convert_element_type3A_661 = arith.sitofp %convert_element_type3A_660 : i32 to f32
    %convert_element_type3A_662 = arith.sitofp %get3A_639 : i32 to f32
    %mul3A_663 = arith.constant 6.250000e-02 : f32
    %mul3A_664 = arith.mulf %convert_element_type3A_662, %mul3A_663 : f32
    %floor3A_665 = math.floor %mul3A_664 : f32
    %jit3A_666 = arith.constant 0.000000e+00 : f32
    %jit3A_667 = arith.constant 3.100000e+01 : f32
    %max3A_668 = arith.maximumf %jit3A_666, %floor3A_665 : f32
    %min3A_669 = arith.minimumf %jit3A_667, %max3A_668 : f32
    %convert_element_type3A_670 = arith.sitofp %get3A_642 : i32 to f32
    %mul3A_671 = arith.constant 6.250000e-02 : f32
    %mul3A_672 = arith.mulf %convert_element_type3A_670, %mul3A_671 : f32
    %floor3A_673 = math.floor %mul3A_672 : f32
    %jit3A_674 = arith.constant 0.000000e+00 : f32
    %jit3A_675 = arith.constant 3.100000e+01 : f32
    %max3A_676 = arith.maximumf %jit3A_674, %floor3A_673 : f32
    %min3A_677 = arith.minimumf %jit3A_675, %max3A_676 : f32
    %convert_element_type3A_678 = arith.sitofp %get3A_645 : i32 to f32
    %mul3A_679 = arith.constant 6.250000e-02 : f32
    %mul3A_680 = arith.mulf %convert_element_type3A_678, %mul3A_679 : f32
    %floor3A_681 = math.floor %mul3A_680 : f32
    %jit3A_682 = arith.constant 0.000000e+00 : f32
    %jit3A_683 = arith.constant 3.100000e+01 : f32
    %max3A_684 = arith.maximumf %jit3A_682, %floor3A_681 : f32
    %min3A_685 = arith.minimumf %jit3A_683, %max3A_684 : f32
    %convert_element_type3A_686 = arith.sitofp %get3A_648 : i32 to f32
    %mul3A_687 = arith.constant 6.250000e-02 : f32
    %mul3A_688 = arith.mulf %convert_element_type3A_686, %mul3A_687 : f32
    %floor3A_689 = math.floor %mul3A_688 : f32
    %jit3A_690 = arith.constant 0.000000e+00 : f32
    %jit3A_691 = arith.constant 3.100000e+01 : f32
    %max3A_692 = arith.maximumf %jit3A_690, %floor3A_689 : f32
    %min3A_693 = arith.minimumf %jit3A_691, %max3A_692 : f32
    %min3A_694 = arith.minimumf %min3A_669, %min3A_685 : f32
    %convert_element_type3A_695 = arith.fptosi %min3A_694 : f32 to i32
    %max3A_696 = arith.maximumf %min3A_669, %min3A_685 : f32
    %convert_element_type3A_697 = arith.fptosi %max3A_696 : f32 to i32
    %min3A_698 = arith.minimumf %min3A_677, %min3A_693 : f32
    %convert_element_type3A_699 = arith.fptosi %min3A_698 : f32 to i32
    %max3A_700 = arith.maximumf %min3A_677, %min3A_693 : f32
    %convert_element_type3A_701 = arith.fptosi %max3A_700 : f32 to i32
    %ge3A_702 = vector.broadcast %convert_element_type3A_699 : i32 to vector<32x32xi32>
    %ge3A_703 = arith.cmpi sge, %iota3A, %ge3A_702 : vector<32x32xi32>
    %le3A_704 = vector.broadcast %convert_element_type3A_701 : i32 to vector<32x32xi32>
    %le3A_705 = arith.cmpi sle, %iota3A, %le3A_704 : vector<32x32xi32>
    %and3A_706 = arith.andi %ge3A_703, %le3A_705 : vector<32x32xi1>
    %ge3A_707 = vector.broadcast %convert_element_type3A_695 : i32 to vector<32x32xi32>
    %ge3A_708 = arith.cmpi sge, %iota3A_0, %ge3A_707 : vector<32x32xi32>
    %and3A_709 = arith.andi %and3A_706, %ge3A_708 : vector<32x32xi1>
    %le3A_710 = vector.broadcast %convert_element_type3A_697 : i32 to vector<32x32xi32>
    %le3A_711 = arith.cmpi sle, %iota3A_0, %le3A_710 : vector<32x32xi32>
    %and3A_712 = arith.andi %and3A_709, %le3A_711 : vector<32x32xi1>
    %convert_element_type3A_713 = arith.extui %and3A_712 : vector<32x32xi1> to vector<32x32xi32>
    %convert_element_type3A_714 = arith.sitofp %convert_element_type3A_713 : vector<32x32xi32> to vector<32x32xf32>
    %mul3A_715 = vector.broadcast %convert_element_type3A_661 : f32 to vector<32x32xf32>
    %mul3A_716 = arith.mulf %convert_element_type3A_714, %mul3A_715 : vector<32x32xf32>
    %sub3A_717 = arith.constant 1.000000e+00 : f32
    %sub3A_718 = vector.broadcast %sub3A_717 : f32 to vector<32x32xf32>
    %sub3A_719 = arith.subf %sub3A_718, %add3A_504 : vector<32x32xf32>
    %mul3A_720 = arith.mulf %mul3A_716, %sub3A_719 : vector<32x32xf32>
    %add3A_721 = arith.addf %add3A_504, %mul3A_720 : vector<32x32xf32>
    %sub3A_722 = arith.subi %convert_element_type3A_697, %convert_element_type3A_695 : i32
    %add3A_723 = arith.constant 1 : i32
    %add3A_724 = arith.addi %sub3A_722, %add3A_723 : i32
    %convert_element_type3A_725 = arith.sitofp %add3A_724 : i32 to f32
    %div3A_726 = arith.constant 3.200000e+01 : f32
    %div3A_727 = arith.divf %div3A_726, %convert_element_type3A_725 : f32
    %iota3A_728 = tpu.iota {dimensions = array<i32: 1>} : vector<32x32xi32>
    %iota3A_729 = tpu.iota {dimensions = array<i32: 0>} : vector<32x32xi32>
    %convert_element_type3A_730 = arith.sitofp %iota3A_729 : vector<32x32xi32> to vector<32x32xf32>
    %sub3A_731 = vector.broadcast %convert_element_type3A_695 : i32 to vector<32x32xi32>
    %sub3A_732 = arith.subi %iota3A_728, %sub3A_731 : vector<32x32xi32>
    %jit3A_733 = arith.constant 0 : i32
    %jit3A_734 = arith.constant 31 : i32
    %max3A_735 = vector.broadcast %jit3A_733 : i32 to vector<32x32xi32>
    %max3A_736 = arith.maxsi %max3A_735, %sub3A_732 : vector<32x32xi32>
    %min3A_737 = vector.broadcast %jit3A_734 : i32 to vector<32x32xi32>
    %min3A_738 = arith.minsi %min3A_737, %max3A_736 : vector<32x32xi32>
    %convert_element_type3A_739 = arith.sitofp %min3A_738 : vector<32x32xi32> to vector<32x32xf32>
    %add3A_740 = arith.constant 5.000000e-01 : f32
    %add3A_741 = vector.broadcast %add3A_740 : f32 to vector<32x32xf32>
    %add3A_742 = arith.addf %convert_element_type3A_739, %add3A_741 : vector<32x32xf32>
    %mul3A_743 = vector.broadcast %div3A_727 : f32 to vector<32x32xf32>
    %mul3A_744 = arith.mulf %add3A_742, %mul3A_743 : vector<32x32xf32>
    %sub3A_745 = arith.constant 5.000000e-01 : f32
    %sub3A_746 = vector.broadcast %sub3A_745 : f32 to vector<32x32xf32>
    %sub3A_747 = arith.subf %mul3A_744, %sub3A_746 : vector<32x32xf32>
    %sub3A_748 = arith.subf %sub3A_747, %convert_element_type3A_730 : vector<32x32xf32>
    %abs3A_749 = math.absf %sub3A_748 : vector<32x32xf32>
    %div3A_750 = vector.broadcast %div3A_727 : f32 to vector<32x32xf32>
    %div3A_751 = arith.divf %abs3A_749, %div3A_750 : vector<32x32xf32>
    %sub3A_752 = arith.constant 1.000000e+00 : f32
    %sub3A_753 = vector.broadcast %sub3A_752 : f32 to vector<32x32xf32>
    %sub3A_754 = arith.subf %sub3A_753, %div3A_751 : vector<32x32xf32>
    %max3A_755 = arith.constant 0.000000e+00 : f32
    %max3A_756 = vector.broadcast %max3A_755 : f32 to vector<32x32xf32>
    %max3A_757 = arith.maximumf %max3A_756, %sub3A_754 : vector<32x32xf32>
    %reduce_sum3A_758 = arith.constant dense<0.000000e+00> : vector<32xf32>
    %reduce_sum3A_759 = vector.multi_reduction <add>, %max3A_757, %reduce_sum3A_758 [0] : vector<32x32xf32> to vector<32xf32>
    %broadcast_in_dim3A_760 = vector.shape_cast %reduce_sum3A_759 : vector<32xf32> to vector<1x32xf32>
    %abs3A_761 = math.absf %broadcast_in_dim3A_760 : vector<1x32xf32>
    %gt3A_762 = arith.constant 1.1920929E-4 : f32
    %gt3A_763 = vector.broadcast %gt3A_762 : f32 to vector<1x32xf32>
    %gt3A_764 = arith.cmpf ogt, %abs3A_761, %gt3A_763 : vector<1x32xf32>
    %ne3A_765 = arith.constant 0.000000e+00 : f32
    %ne3A_766 = vector.broadcast %ne3A_765 : f32 to vector<1x32xf32>
    %ne3A_767 = arith.cmpf one, %broadcast_in_dim3A_760, %ne3A_766 : vector<1x32xf32>
    %jit3A_768 = arith.constant 1.000000e+00 : f32
    %broadcast_in_dim3A_769 = vector.broadcast %jit3A_768 : f32 to vector<1x32xf32>
    %select_n3A_770 = arith.select %ne3A_767, %broadcast_in_dim3A_760, %broadcast_in_dim3A_769 : vector<1x32xi1>, vector<1x32xf32>
    %div3A_771 = vector.broadcast %select_n3A_770 : vector<1x32xf32> to vector<32x32xf32>
    %div3A_772 = arith.divf %max3A_757, %div3A_771 : vector<32x32xf32>
    %jit3A_773 = arith.constant 0.000000e+00 : f32
    %broadcast_in_dim3A_774 = vector.shape_cast %gt3A_764 : vector<1x32xi1> to vector<1x32xi1>
    %broadcast_in_dim3A_775 = vector.broadcast %broadcast_in_dim3A_774 : vector<1x32xi1> to vector<32x32xi1>
    %broadcast_in_dim3A_776 = vector.broadcast %jit3A_773 : f32 to vector<32x32xf32>
    %select_n3A_777 = arith.select %broadcast_in_dim3A_775, %div3A_772, %broadcast_in_dim3A_776 : vector<32x32xi1>, vector<32x32xf32>
    %ge3A_778 = arith.constant -5.000000e-01 : f32
    %ge3A_779 = vector.broadcast %ge3A_778 : f32 to vector<32x32xf32>
    %ge3A_780 = arith.cmpf oge, %sub3A_747, %ge3A_779 : vector<32x32xf32>
    %le3A_781 = arith.constant 3.150000e+01 : f32
    %le3A_782 = vector.broadcast %le3A_781 : f32 to vector<32x32xf32>
    %le3A_783 = arith.cmpf ole, %sub3A_747, %le3A_782 : vector<32x32xf32>
    %and3A_784 = arith.andi %ge3A_780, %le3A_783 : vector<32x32xi1>
    %jit3A_785 = arith.constant 0.000000e+00 : f32
    %broadcast_in_dim3A_786 = vector.broadcast %jit3A_785 : f32 to vector<32x32xf32>
    %select_n3A_787 = arith.select %and3A_784, %select_n3A_777, %broadcast_in_dim3A_786 : vector<32x32xi1>, vector<32x32xf32>
    %sub3A_788 = arith.subi %convert_element_type3A_701, %convert_element_type3A_699 : i32
    %add3A_789 = arith.constant 1 : i32
    %add3A_790 = arith.addi %sub3A_788, %add3A_789 : i32
    %convert_element_type3A_791 = arith.sitofp %add3A_790 : i32 to f32
    %div3A_792 = arith.constant 3.200000e+01 : f32
    %div3A_793 = arith.divf %div3A_792, %convert_element_type3A_791 : f32
    %iota3A_794 = tpu.iota {dimensions = array<i32: 1>} : vector<32x32xi32>
    %iota3A_795 = tpu.iota {dimensions = array<i32: 0>} : vector<32x32xi32>
    %convert_element_type3A_796 = arith.sitofp %iota3A_795 : vector<32x32xi32> to vector<32x32xf32>
    %sub3A_797 = vector.broadcast %convert_element_type3A_699 : i32 to vector<32x32xi32>
    %sub3A_798 = arith.subi %iota3A_794, %sub3A_797 : vector<32x32xi32>
    %jit3A_799 = arith.constant 0 : i32
    %jit3A_800 = arith.constant 31 : i32
    %max3A_801 = vector.broadcast %jit3A_799 : i32 to vector<32x32xi32>
    %max3A_802 = arith.maxsi %max3A_801, %sub3A_798 : vector<32x32xi32>
    %min3A_803 = vector.broadcast %jit3A_800 : i32 to vector<32x32xi32>
    %min3A_804 = arith.minsi %min3A_803, %max3A_802 : vector<32x32xi32>
    %convert_element_type3A_805 = arith.sitofp %min3A_804 : vector<32x32xi32> to vector<32x32xf32>
    %add3A_806 = arith.constant 5.000000e-01 : f32
    %add3A_807 = vector.broadcast %add3A_806 : f32 to vector<32x32xf32>
    %add3A_808 = arith.addf %convert_element_type3A_805, %add3A_807 : vector<32x32xf32>
    %mul3A_809 = vector.broadcast %div3A_793 : f32 to vector<32x32xf32>
    %mul3A_810 = arith.mulf %add3A_808, %mul3A_809 : vector<32x32xf32>
    %sub3A_811 = arith.constant 5.000000e-01 : f32
    %sub3A_812 = vector.broadcast %sub3A_811 : f32 to vector<32x32xf32>
    %sub3A_813 = arith.subf %mul3A_810, %sub3A_812 : vector<32x32xf32>
    %sub3A_814 = arith.subf %sub3A_813, %convert_element_type3A_796 : vector<32x32xf32>
    %abs3A_815 = math.absf %sub3A_814 : vector<32x32xf32>
    %div3A_816 = vector.broadcast %div3A_793 : f32 to vector<32x32xf32>
    %div3A_817 = arith.divf %abs3A_815, %div3A_816 : vector<32x32xf32>
    %sub3A_818 = arith.constant 1.000000e+00 : f32
    %sub3A_819 = vector.broadcast %sub3A_818 : f32 to vector<32x32xf32>
    %sub3A_820 = arith.subf %sub3A_819, %div3A_817 : vector<32x32xf32>
    %max3A_821 = arith.constant 0.000000e+00 : f32
    %max3A_822 = vector.broadcast %max3A_821 : f32 to vector<32x32xf32>
    %max3A_823 = arith.maximumf %max3A_822, %sub3A_820 : vector<32x32xf32>
    %reduce_sum3A_824 = arith.constant dense<0.000000e+00> : vector<32xf32>
    %reduce_sum3A_825 = vector.multi_reduction <add>, %max3A_823, %reduce_sum3A_824 [0] : vector<32x32xf32> to vector<32xf32>
    %broadcast_in_dim3A_826 = vector.shape_cast %reduce_sum3A_825 : vector<32xf32> to vector<1x32xf32>
    %abs3A_827 = math.absf %broadcast_in_dim3A_826 : vector<1x32xf32>
    %gt3A_828 = arith.constant 1.1920929E-4 : f32
    %gt3A_829 = vector.broadcast %gt3A_828 : f32 to vector<1x32xf32>
    %gt3A_830 = arith.cmpf ogt, %abs3A_827, %gt3A_829 : vector<1x32xf32>
    %ne3A_831 = arith.constant 0.000000e+00 : f32
    %ne3A_832 = vector.broadcast %ne3A_831 : f32 to vector<1x32xf32>
    %ne3A_833 = arith.cmpf one, %broadcast_in_dim3A_826, %ne3A_832 : vector<1x32xf32>
    %jit3A_834 = arith.constant 1.000000e+00 : f32
    %broadcast_in_dim3A_835 = vector.broadcast %jit3A_834 : f32 to vector<1x32xf32>
    %select_n3A_836 = arith.select %ne3A_833, %broadcast_in_dim3A_826, %broadcast_in_dim3A_835 : vector<1x32xi1>, vector<1x32xf32>
    %div3A_837 = vector.broadcast %select_n3A_836 : vector<1x32xf32> to vector<32x32xf32>
    %div3A_838 = arith.divf %max3A_823, %div3A_837 : vector<32x32xf32>
    %jit3A_839 = arith.constant 0.000000e+00 : f32
    %broadcast_in_dim3A_840 = vector.shape_cast %gt3A_830 : vector<1x32xi1> to vector<1x32xi1>
    %broadcast_in_dim3A_841 = vector.broadcast %broadcast_in_dim3A_840 : vector<1x32xi1> to vector<32x32xi1>
    %broadcast_in_dim3A_842 = vector.broadcast %jit3A_839 : f32 to vector<32x32xf32>
    %select_n3A_843 = arith.select %broadcast_in_dim3A_841, %div3A_838, %broadcast_in_dim3A_842 : vector<32x32xi1>, vector<32x32xf32>
    %ge3A_844 = arith.constant -5.000000e-01 : f32
    %ge3A_845 = vector.broadcast %ge3A_844 : f32 to vector<32x32xf32>
    %ge3A_846 = arith.cmpf oge, %sub3A_813, %ge3A_845 : vector<32x32xf32>
    %le3A_847 = arith.constant 3.150000e+01 : f32
    %le3A_848 = vector.broadcast %le3A_847 : f32 to vector<32x32xf32>
    %le3A_849 = arith.cmpf ole, %sub3A_813, %le3A_848 : vector<32x32xf32>
    %and3A_850 = arith.andi %ge3A_846, %le3A_849 : vector<32x32xi1>
    %jit3A_851 = arith.constant 0.000000e+00 : f32
    %broadcast_in_dim3A_852 = vector.broadcast %jit3A_851 : f32 to vector<32x32xf32>
    %select_n3A_853 = arith.select %and3A_850, %select_n3A_843, %broadcast_in_dim3A_852 : vector<32x32xi1>, vector<32x32xf32>
    %get3A_854 = arith.constant 4 : index
    %get3A_855 = arith.constant 0 : index
    %get3A_856 = memref.load %arg1[%get3A_854, %get3A_855] : memref<6x4xi32, #tpu.memory_space<smem>>
    %get3A_857 = arith.constant 4 : index
    %get3A_858 = arith.constant 1 : index
    %get3A_859 = memref.load %arg1[%get3A_857, %get3A_858] : memref<6x4xi32, #tpu.memory_space<smem>>
    %get3A_860 = arith.constant 4 : index
    %get3A_861 = arith.constant 2 : index
    %get3A_862 = memref.load %arg1[%get3A_860, %get3A_861] : memref<6x4xi32, #tpu.memory_space<smem>>
    %get3A_863 = arith.constant 4 : index
    %get3A_864 = arith.constant 3 : index
    %get3A_865 = memref.load %arg1[%get3A_863, %get3A_864] : memref<6x4xi32, #tpu.memory_space<smem>>
    %ge3A_866 = arith.constant 0 : i32
    %ge3A_867 = arith.cmpi sge, %get3A_856, %ge3A_866 : i32
    %ge3A_868 = arith.constant 0 : i32
    %ge3A_869 = arith.cmpi sge, %get3A_859, %ge3A_868 : i32
    %and3A_870 = arith.andi %ge3A_867, %ge3A_869 : i1
    %ge3A_871 = arith.constant 0 : i32
    %ge3A_872 = arith.cmpi sge, %get3A_862, %ge3A_871 : i32
    %and3A_873 = arith.andi %and3A_870, %ge3A_872 : i1
    %ge3A_874 = arith.constant 0 : i32
    %ge3A_875 = arith.cmpi sge, %get3A_865, %ge3A_874 : i32
    %and3A_876 = arith.andi %and3A_873, %ge3A_875 : i1
    %convert_element_type3A_877 = arith.extui %and3A_876 : i1 to i32
    %convert_element_type3A_878 = arith.sitofp %convert_element_type3A_877 : i32 to f32
    %convert_element_type3A_879 = arith.sitofp %get3A_856 : i32 to f32
    %mul3A_880 = arith.constant 6.250000e-02 : f32
    %mul3A_881 = arith.mulf %convert_element_type3A_879, %mul3A_880 : f32
    %floor3A_882 = math.floor %mul3A_881 : f32
    %jit3A_883 = arith.constant 0.000000e+00 : f32
    %jit3A_884 = arith.constant 3.100000e+01 : f32
    %max3A_885 = arith.maximumf %jit3A_883, %floor3A_882 : f32
    %min3A_886 = arith.minimumf %jit3A_884, %max3A_885 : f32
    %convert_element_type3A_887 = arith.sitofp %get3A_859 : i32 to f32
    %mul3A_888 = arith.constant 6.250000e-02 : f32
    %mul3A_889 = arith.mulf %convert_element_type3A_887, %mul3A_888 : f32
    %floor3A_890 = math.floor %mul3A_889 : f32
    %jit3A_891 = arith.constant 0.000000e+00 : f32
    %jit3A_892 = arith.constant 3.100000e+01 : f32
    %max3A_893 = arith.maximumf %jit3A_891, %floor3A_890 : f32
    %min3A_894 = arith.minimumf %jit3A_892, %max3A_893 : f32
    %convert_element_type3A_895 = arith.sitofp %get3A_862 : i32 to f32
    %mul3A_896 = arith.constant 6.250000e-02 : f32
    %mul3A_897 = arith.mulf %convert_element_type3A_895, %mul3A_896 : f32
    %floor3A_898 = math.floor %mul3A_897 : f32
    %jit3A_899 = arith.constant 0.000000e+00 : f32
    %jit3A_900 = arith.constant 3.100000e+01 : f32
    %max3A_901 = arith.maximumf %jit3A_899, %floor3A_898 : f32
    %min3A_902 = arith.minimumf %jit3A_900, %max3A_901 : f32
    %convert_element_type3A_903 = arith.sitofp %get3A_865 : i32 to f32
    %mul3A_904 = arith.constant 6.250000e-02 : f32
    %mul3A_905 = arith.mulf %convert_element_type3A_903, %mul3A_904 : f32
    %floor3A_906 = math.floor %mul3A_905 : f32
    %jit3A_907 = arith.constant 0.000000e+00 : f32
    %jit3A_908 = arith.constant 3.100000e+01 : f32
    %max3A_909 = arith.maximumf %jit3A_907, %floor3A_906 : f32
    %min3A_910 = arith.minimumf %jit3A_908, %max3A_909 : f32
    %min3A_911 = arith.minimumf %min3A_886, %min3A_902 : f32
    %convert_element_type3A_912 = arith.fptosi %min3A_911 : f32 to i32
    %max3A_913 = arith.maximumf %min3A_886, %min3A_902 : f32
    %convert_element_type3A_914 = arith.fptosi %max3A_913 : f32 to i32
    %min3A_915 = arith.minimumf %min3A_894, %min3A_910 : f32
    %convert_element_type3A_916 = arith.fptosi %min3A_915 : f32 to i32
    %max3A_917 = arith.maximumf %min3A_894, %min3A_910 : f32
    %convert_element_type3A_918 = arith.fptosi %max3A_917 : f32 to i32
    %ge3A_919 = vector.broadcast %convert_element_type3A_916 : i32 to vector<32x32xi32>
    %ge3A_920 = arith.cmpi sge, %iota3A, %ge3A_919 : vector<32x32xi32>
    %le3A_921 = vector.broadcast %convert_element_type3A_918 : i32 to vector<32x32xi32>
    %le3A_922 = arith.cmpi sle, %iota3A, %le3A_921 : vector<32x32xi32>
    %and3A_923 = arith.andi %ge3A_920, %le3A_922 : vector<32x32xi1>
    %ge3A_924 = vector.broadcast %convert_element_type3A_912 : i32 to vector<32x32xi32>
    %ge3A_925 = arith.cmpi sge, %iota3A_0, %ge3A_924 : vector<32x32xi32>
    %and3A_926 = arith.andi %and3A_923, %ge3A_925 : vector<32x32xi1>
    %le3A_927 = vector.broadcast %convert_element_type3A_914 : i32 to vector<32x32xi32>
    %le3A_928 = arith.cmpi sle, %iota3A_0, %le3A_927 : vector<32x32xi32>
    %and3A_929 = arith.andi %and3A_926, %le3A_928 : vector<32x32xi1>
    %convert_element_type3A_930 = arith.extui %and3A_929 : vector<32x32xi1> to vector<32x32xi32>
    %convert_element_type3A_931 = arith.sitofp %convert_element_type3A_930 : vector<32x32xi32> to vector<32x32xf32>
    %mul3A_932 = vector.broadcast %convert_element_type3A_878 : f32 to vector<32x32xf32>
    %mul3A_933 = arith.mulf %convert_element_type3A_931, %mul3A_932 : vector<32x32xf32>
    %sub3A_934 = arith.constant 1.000000e+00 : f32
    %sub3A_935 = vector.broadcast %sub3A_934 : f32 to vector<32x32xf32>
    %sub3A_936 = arith.subf %sub3A_935, %add3A_721 : vector<32x32xf32>
    %mul3A_937 = arith.mulf %mul3A_933, %sub3A_936 : vector<32x32xf32>
    %add3A_938 = arith.addf %add3A_721, %mul3A_937 : vector<32x32xf32>
    %sub3A_939 = arith.subi %convert_element_type3A_914, %convert_element_type3A_912 : i32
    %add3A_940 = arith.constant 1 : i32
    %add3A_941 = arith.addi %sub3A_939, %add3A_940 : i32
    %convert_element_type3A_942 = arith.sitofp %add3A_941 : i32 to f32
    %div3A_943 = arith.constant 3.200000e+01 : f32
    %div3A_944 = arith.divf %div3A_943, %convert_element_type3A_942 : f32
    %iota3A_945 = tpu.iota {dimensions = array<i32: 1>} : vector<32x32xi32>
    %iota3A_946 = tpu.iota {dimensions = array<i32: 0>} : vector<32x32xi32>
    %convert_element_type3A_947 = arith.sitofp %iota3A_946 : vector<32x32xi32> to vector<32x32xf32>
    %sub3A_948 = vector.broadcast %convert_element_type3A_912 : i32 to vector<32x32xi32>
    %sub3A_949 = arith.subi %iota3A_945, %sub3A_948 : vector<32x32xi32>
    %jit3A_950 = arith.constant 0 : i32
    %jit3A_951 = arith.constant 31 : i32
    %max3A_952 = vector.broadcast %jit3A_950 : i32 to vector<32x32xi32>
    %max3A_953 = arith.maxsi %max3A_952, %sub3A_949 : vector<32x32xi32>
    %min3A_954 = vector.broadcast %jit3A_951 : i32 to vector<32x32xi32>
    %min3A_955 = arith.minsi %min3A_954, %max3A_953 : vector<32x32xi32>
    %convert_element_type3A_956 = arith.sitofp %min3A_955 : vector<32x32xi32> to vector<32x32xf32>
    %add3A_957 = arith.constant 5.000000e-01 : f32
    %add3A_958 = vector.broadcast %add3A_957 : f32 to vector<32x32xf32>
    %add3A_959 = arith.addf %convert_element_type3A_956, %add3A_958 : vector<32x32xf32>
    %mul3A_960 = vector.broadcast %div3A_944 : f32 to vector<32x32xf32>
    %mul3A_961 = arith.mulf %add3A_959, %mul3A_960 : vector<32x32xf32>
    %sub3A_962 = arith.constant 5.000000e-01 : f32
    %sub3A_963 = vector.broadcast %sub3A_962 : f32 to vector<32x32xf32>
    %sub3A_964 = arith.subf %mul3A_961, %sub3A_963 : vector<32x32xf32>
    %sub3A_965 = arith.subf %sub3A_964, %convert_element_type3A_947 : vector<32x32xf32>
    %abs3A_966 = math.absf %sub3A_965 : vector<32x32xf32>
    %div3A_967 = vector.broadcast %div3A_944 : f32 to vector<32x32xf32>
    %div3A_968 = arith.divf %abs3A_966, %div3A_967 : vector<32x32xf32>
    %sub3A_969 = arith.constant 1.000000e+00 : f32
    %sub3A_970 = vector.broadcast %sub3A_969 : f32 to vector<32x32xf32>
    %sub3A_971 = arith.subf %sub3A_970, %div3A_968 : vector<32x32xf32>
    %max3A_972 = arith.constant 0.000000e+00 : f32
    %max3A_973 = vector.broadcast %max3A_972 : f32 to vector<32x32xf32>
    %max3A_974 = arith.maximumf %max3A_973, %sub3A_971 : vector<32x32xf32>
    %reduce_sum3A_975 = arith.constant dense<0.000000e+00> : vector<32xf32>
    %reduce_sum3A_976 = vector.multi_reduction <add>, %max3A_974, %reduce_sum3A_975 [0] : vector<32x32xf32> to vector<32xf32>
    %broadcast_in_dim3A_977 = vector.shape_cast %reduce_sum3A_976 : vector<32xf32> to vector<1x32xf32>
    %abs3A_978 = math.absf %broadcast_in_dim3A_977 : vector<1x32xf32>
    %gt3A_979 = arith.constant 1.1920929E-4 : f32
    %gt3A_980 = vector.broadcast %gt3A_979 : f32 to vector<1x32xf32>
    %gt3A_981 = arith.cmpf ogt, %abs3A_978, %gt3A_980 : vector<1x32xf32>
    %ne3A_982 = arith.constant 0.000000e+00 : f32
    %ne3A_983 = vector.broadcast %ne3A_982 : f32 to vector<1x32xf32>
    %ne3A_984 = arith.cmpf one, %broadcast_in_dim3A_977, %ne3A_983 : vector<1x32xf32>
    %jit3A_985 = arith.constant 1.000000e+00 : f32
    %broadcast_in_dim3A_986 = vector.broadcast %jit3A_985 : f32 to vector<1x32xf32>
    %select_n3A_987 = arith.select %ne3A_984, %broadcast_in_dim3A_977, %broadcast_in_dim3A_986 : vector<1x32xi1>, vector<1x32xf32>
    %div3A_988 = vector.broadcast %select_n3A_987 : vector<1x32xf32> to vector<32x32xf32>
    %div3A_989 = arith.divf %max3A_974, %div3A_988 : vector<32x32xf32>
    %jit3A_990 = arith.constant 0.000000e+00 : f32
    %broadcast_in_dim3A_991 = vector.shape_cast %gt3A_981 : vector<1x32xi1> to vector<1x32xi1>
    %broadcast_in_dim3A_992 = vector.broadcast %broadcast_in_dim3A_991 : vector<1x32xi1> to vector<32x32xi1>
    %broadcast_in_dim3A_993 = vector.broadcast %jit3A_990 : f32 to vector<32x32xf32>
    %select_n3A_994 = arith.select %broadcast_in_dim3A_992, %div3A_989, %broadcast_in_dim3A_993 : vector<32x32xi1>, vector<32x32xf32>
    %ge3A_995 = arith.constant -5.000000e-01 : f32
    %ge3A_996 = vector.broadcast %ge3A_995 : f32 to vector<32x32xf32>
    %ge3A_997 = arith.cmpf oge, %sub3A_964, %ge3A_996 : vector<32x32xf32>
    %le3A_998 = arith.constant 3.150000e+01 : f32
    %le3A_999 = vector.broadcast %le3A_998 : f32 to vector<32x32xf32>
    %le3A_1000 = arith.cmpf ole, %sub3A_964, %le3A_999 : vector<32x32xf32>
    %and3A_1001 = arith.andi %ge3A_997, %le3A_1000 : vector<32x32xi1>
    %jit3A_1002 = arith.constant 0.000000e+00 : f32
    %broadcast_in_dim3A_1003 = vector.broadcast %jit3A_1002 : f32 to vector<32x32xf32>
    %select_n3A_1004 = arith.select %and3A_1001, %select_n3A_994, %broadcast_in_dim3A_1003 : vector<32x32xi1>, vector<32x32xf32>
    %sub3A_1005 = arith.subi %convert_element_type3A_918, %convert_element_type3A_916 : i32
    %add3A_1006 = arith.constant 1 : i32
    %add3A_1007 = arith.addi %sub3A_1005, %add3A_1006 : i32
    %convert_element_type3A_1008 = arith.sitofp %add3A_1007 : i32 to f32
    %div3A_1009 = arith.constant 3.200000e+01 : f32
    %div3A_1010 = arith.divf %div3A_1009, %convert_element_type3A_1008 : f32
    %iota3A_1011 = tpu.iota {dimensions = array<i32: 1>} : vector<32x32xi32>
    %iota3A_1012 = tpu.iota {dimensions = array<i32: 0>} : vector<32x32xi32>
    %convert_element_type3A_1013 = arith.sitofp %iota3A_1012 : vector<32x32xi32> to vector<32x32xf32>
    %sub3A_1014 = vector.broadcast %convert_element_type3A_916 : i32 to vector<32x32xi32>
    %sub3A_1015 = arith.subi %iota3A_1011, %sub3A_1014 : vector<32x32xi32>
    %jit3A_1016 = arith.constant 0 : i32
    %jit3A_1017 = arith.constant 31 : i32
    %max3A_1018 = vector.broadcast %jit3A_1016 : i32 to vector<32x32xi32>
    %max3A_1019 = arith.maxsi %max3A_1018, %sub3A_1015 : vector<32x32xi32>
    %min3A_1020 = vector.broadcast %jit3A_1017 : i32 to vector<32x32xi32>
    %min3A_1021 = arith.minsi %min3A_1020, %max3A_1019 : vector<32x32xi32>
    %convert_element_type3A_1022 = arith.sitofp %min3A_1021 : vector<32x32xi32> to vector<32x32xf32>
    %add3A_1023 = arith.constant 5.000000e-01 : f32
    %add3A_1024 = vector.broadcast %add3A_1023 : f32 to vector<32x32xf32>
    %add3A_1025 = arith.addf %convert_element_type3A_1022, %add3A_1024 : vector<32x32xf32>
    %mul3A_1026 = vector.broadcast %div3A_1010 : f32 to vector<32x32xf32>
    %mul3A_1027 = arith.mulf %add3A_1025, %mul3A_1026 : vector<32x32xf32>
    %sub3A_1028 = arith.constant 5.000000e-01 : f32
    %sub3A_1029 = vector.broadcast %sub3A_1028 : f32 to vector<32x32xf32>
    %sub3A_1030 = arith.subf %mul3A_1027, %sub3A_1029 : vector<32x32xf32>
    %sub3A_1031 = arith.subf %sub3A_1030, %convert_element_type3A_1013 : vector<32x32xf32>
    %abs3A_1032 = math.absf %sub3A_1031 : vector<32x32xf32>
    %div3A_1033 = vector.broadcast %div3A_1010 : f32 to vector<32x32xf32>
    %div3A_1034 = arith.divf %abs3A_1032, %div3A_1033 : vector<32x32xf32>
    %sub3A_1035 = arith.constant 1.000000e+00 : f32
    %sub3A_1036 = vector.broadcast %sub3A_1035 : f32 to vector<32x32xf32>
    %sub3A_1037 = arith.subf %sub3A_1036, %div3A_1034 : vector<32x32xf32>
    %max3A_1038 = arith.constant 0.000000e+00 : f32
    %max3A_1039 = vector.broadcast %max3A_1038 : f32 to vector<32x32xf32>
    %max3A_1040 = arith.maximumf %max3A_1039, %sub3A_1037 : vector<32x32xf32>
    %reduce_sum3A_1041 = arith.constant dense<0.000000e+00> : vector<32xf32>
    %reduce_sum3A_1042 = vector.multi_reduction <add>, %max3A_1040, %reduce_sum3A_1041 [0] : vector<32x32xf32> to vector<32xf32>
    %broadcast_in_dim3A_1043 = vector.shape_cast %reduce_sum3A_1042 : vector<32xf32> to vector<1x32xf32>
    %abs3A_1044 = math.absf %broadcast_in_dim3A_1043 : vector<1x32xf32>
    %gt3A_1045 = arith.constant 1.1920929E-4 : f32
    %gt3A_1046 = vector.broadcast %gt3A_1045 : f32 to vector<1x32xf32>
    %gt3A_1047 = arith.cmpf ogt, %abs3A_1044, %gt3A_1046 : vector<1x32xf32>
    %ne3A_1048 = arith.constant 0.000000e+00 : f32
    %ne3A_1049 = vector.broadcast %ne3A_1048 : f32 to vector<1x32xf32>
    %ne3A_1050 = arith.cmpf one, %broadcast_in_dim3A_1043, %ne3A_1049 : vector<1x32xf32>
    %jit3A_1051 = arith.constant 1.000000e+00 : f32
    %broadcast_in_dim3A_1052 = vector.broadcast %jit3A_1051 : f32 to vector<1x32xf32>
    %select_n3A_1053 = arith.select %ne3A_1050, %broadcast_in_dim3A_1043, %broadcast_in_dim3A_1052 : vector<1x32xi1>, vector<1x32xf32>
    %div3A_1054 = vector.broadcast %select_n3A_1053 : vector<1x32xf32> to vector<32x32xf32>
    %div3A_1055 = arith.divf %max3A_1040, %div3A_1054 : vector<32x32xf32>
    %jit3A_1056 = arith.constant 0.000000e+00 : f32
    %broadcast_in_dim3A_1057 = vector.shape_cast %gt3A_1047 : vector<1x32xi1> to vector<1x32xi1>
    %broadcast_in_dim3A_1058 = vector.broadcast %broadcast_in_dim3A_1057 : vector<1x32xi1> to vector<32x32xi1>
    %broadcast_in_dim3A_1059 = vector.broadcast %jit3A_1056 : f32 to vector<32x32xf32>
    %select_n3A_1060 = arith.select %broadcast_in_dim3A_1058, %div3A_1055, %broadcast_in_dim3A_1059 : vector<32x32xi1>, vector<32x32xf32>
    %ge3A_1061 = arith.constant -5.000000e-01 : f32
    %ge3A_1062 = vector.broadcast %ge3A_1061 : f32 to vector<32x32xf32>
    %ge3A_1063 = arith.cmpf oge, %sub3A_1030, %ge3A_1062 : vector<32x32xf32>
    %le3A_1064 = arith.constant 3.150000e+01 : f32
    %le3A_1065 = vector.broadcast %le3A_1064 : f32 to vector<32x32xf32>
    %le3A_1066 = arith.cmpf ole, %sub3A_1030, %le3A_1065 : vector<32x32xf32>
    %and3A_1067 = arith.andi %ge3A_1063, %le3A_1066 : vector<32x32xi1>
    %jit3A_1068 = arith.constant 0.000000e+00 : f32
    %broadcast_in_dim3A_1069 = vector.broadcast %jit3A_1068 : f32 to vector<32x32xf32>
    %select_n3A_1070 = arith.select %and3A_1067, %select_n3A_1060, %broadcast_in_dim3A_1069 : vector<32x32xi1>, vector<32x32xf32>
    %get3A_1071 = arith.constant 5 : index
    %get3A_1072 = arith.constant 0 : index
    %get3A_1073 = memref.load %arg1[%get3A_1071, %get3A_1072] : memref<6x4xi32, #tpu.memory_space<smem>>
    %get3A_1074 = arith.constant 5 : index
    %get3A_1075 = arith.constant 1 : index
    %get3A_1076 = memref.load %arg1[%get3A_1074, %get3A_1075] : memref<6x4xi32, #tpu.memory_space<smem>>
    %get3A_1077 = arith.constant 5 : index
    %get3A_1078 = arith.constant 2 : index
    %get3A_1079 = memref.load %arg1[%get3A_1077, %get3A_1078] : memref<6x4xi32, #tpu.memory_space<smem>>
    %get3A_1080 = arith.constant 5 : index
    %get3A_1081 = arith.constant 3 : index
    %get3A_1082 = memref.load %arg1[%get3A_1080, %get3A_1081] : memref<6x4xi32, #tpu.memory_space<smem>>
    %ge3A_1083 = arith.constant 0 : i32
    %ge3A_1084 = arith.cmpi sge, %get3A_1073, %ge3A_1083 : i32
    %ge3A_1085 = arith.constant 0 : i32
    %ge3A_1086 = arith.cmpi sge, %get3A_1076, %ge3A_1085 : i32
    %and3A_1087 = arith.andi %ge3A_1084, %ge3A_1086 : i1
    %ge3A_1088 = arith.constant 0 : i32
    %ge3A_1089 = arith.cmpi sge, %get3A_1079, %ge3A_1088 : i32
    %and3A_1090 = arith.andi %and3A_1087, %ge3A_1089 : i1
    %ge3A_1091 = arith.constant 0 : i32
    %ge3A_1092 = arith.cmpi sge, %get3A_1082, %ge3A_1091 : i32
    %and3A_1093 = arith.andi %and3A_1090, %ge3A_1092 : i1
    %convert_element_type3A_1094 = arith.extui %and3A_1093 : i1 to i32
    %convert_element_type3A_1095 = arith.sitofp %convert_element_type3A_1094 : i32 to f32
    %convert_element_type3A_1096 = arith.sitofp %get3A_1073 : i32 to f32
    %mul3A_1097 = arith.constant 6.250000e-02 : f32
    %mul3A_1098 = arith.mulf %convert_element_type3A_1096, %mul3A_1097 : f32
    %floor3A_1099 = math.floor %mul3A_1098 : f32
    %jit3A_1100 = arith.constant 0.000000e+00 : f32
    %jit3A_1101 = arith.constant 3.100000e+01 : f32
    %max3A_1102 = arith.maximumf %jit3A_1100, %floor3A_1099 : f32
    %min3A_1103 = arith.minimumf %jit3A_1101, %max3A_1102 : f32
    %convert_element_type3A_1104 = arith.sitofp %get3A_1076 : i32 to f32
    %mul3A_1105 = arith.constant 6.250000e-02 : f32
    %mul3A_1106 = arith.mulf %convert_element_type3A_1104, %mul3A_1105 : f32
    %floor3A_1107 = math.floor %mul3A_1106 : f32
    %jit3A_1108 = arith.constant 0.000000e+00 : f32
    %jit3A_1109 = arith.constant 3.100000e+01 : f32
    %max3A_1110 = arith.maximumf %jit3A_1108, %floor3A_1107 : f32
    %min3A_1111 = arith.minimumf %jit3A_1109, %max3A_1110 : f32
    %convert_element_type3A_1112 = arith.sitofp %get3A_1079 : i32 to f32
    %mul3A_1113 = arith.constant 6.250000e-02 : f32
    %mul3A_1114 = arith.mulf %convert_element_type3A_1112, %mul3A_1113 : f32
    %floor3A_1115 = math.floor %mul3A_1114 : f32
    %jit3A_1116 = arith.constant 0.000000e+00 : f32
    %jit3A_1117 = arith.constant 3.100000e+01 : f32
    %max3A_1118 = arith.maximumf %jit3A_1116, %floor3A_1115 : f32
    %min3A_1119 = arith.minimumf %jit3A_1117, %max3A_1118 : f32
    %convert_element_type3A_1120 = arith.sitofp %get3A_1082 : i32 to f32
    %mul3A_1121 = arith.constant 6.250000e-02 : f32
    %mul3A_1122 = arith.mulf %convert_element_type3A_1120, %mul3A_1121 : f32
    %floor3A_1123 = math.floor %mul3A_1122 : f32
    %jit3A_1124 = arith.constant 0.000000e+00 : f32
    %jit3A_1125 = arith.constant 3.100000e+01 : f32
    %max3A_1126 = arith.maximumf %jit3A_1124, %floor3A_1123 : f32
    %min3A_1127 = arith.minimumf %jit3A_1125, %max3A_1126 : f32
    %min3A_1128 = arith.minimumf %min3A_1103, %min3A_1119 : f32
    %convert_element_type3A_1129 = arith.fptosi %min3A_1128 : f32 to i32
    %max3A_1130 = arith.maximumf %min3A_1103, %min3A_1119 : f32
    %convert_element_type3A_1131 = arith.fptosi %max3A_1130 : f32 to i32
    %min3A_1132 = arith.minimumf %min3A_1111, %min3A_1127 : f32
    %convert_element_type3A_1133 = arith.fptosi %min3A_1132 : f32 to i32
    %max3A_1134 = arith.maximumf %min3A_1111, %min3A_1127 : f32
    %convert_element_type3A_1135 = arith.fptosi %max3A_1134 : f32 to i32
    %ge3A_1136 = vector.broadcast %convert_element_type3A_1133 : i32 to vector<32x32xi32>
    %ge3A_1137 = arith.cmpi sge, %iota3A, %ge3A_1136 : vector<32x32xi32>
    %le3A_1138 = vector.broadcast %convert_element_type3A_1135 : i32 to vector<32x32xi32>
    %le3A_1139 = arith.cmpi sle, %iota3A, %le3A_1138 : vector<32x32xi32>
    %and3A_1140 = arith.andi %ge3A_1137, %le3A_1139 : vector<32x32xi1>
    %ge3A_1141 = vector.broadcast %convert_element_type3A_1129 : i32 to vector<32x32xi32>
    %ge3A_1142 = arith.cmpi sge, %iota3A_0, %ge3A_1141 : vector<32x32xi32>
    %and3A_1143 = arith.andi %and3A_1140, %ge3A_1142 : vector<32x32xi1>
    %le3A_1144 = vector.broadcast %convert_element_type3A_1131 : i32 to vector<32x32xi32>
    %le3A_1145 = arith.cmpi sle, %iota3A_0, %le3A_1144 : vector<32x32xi32>
    %and3A_1146 = arith.andi %and3A_1143, %le3A_1145 : vector<32x32xi1>
    %convert_element_type3A_1147 = arith.extui %and3A_1146 : vector<32x32xi1> to vector<32x32xi32>
    %convert_element_type3A_1148 = arith.sitofp %convert_element_type3A_1147 : vector<32x32xi32> to vector<32x32xf32>
    %mul3A_1149 = vector.broadcast %convert_element_type3A_1095 : f32 to vector<32x32xf32>
    %mul3A_1150 = arith.mulf %convert_element_type3A_1148, %mul3A_1149 : vector<32x32xf32>
    %sub3A_1151 = arith.constant 1.000000e+00 : f32
    %sub3A_1152 = vector.broadcast %sub3A_1151 : f32 to vector<32x32xf32>
    %sub3A_1153 = arith.subf %sub3A_1152, %add3A_938 : vector<32x32xf32>
    %mul3A_1154 = arith.mulf %mul3A_1150, %sub3A_1153 : vector<32x32xf32>
    %sub3A_1155 = arith.subi %convert_element_type3A_1131, %convert_element_type3A_1129 : i32
    %add3A_1156 = arith.constant 1 : i32
    %add3A_1157 = arith.addi %sub3A_1155, %add3A_1156 : i32
    %convert_element_type3A_1158 = arith.sitofp %add3A_1157 : i32 to f32
    %div3A_1159 = arith.constant 3.200000e+01 : f32
    %div3A_1160 = arith.divf %div3A_1159, %convert_element_type3A_1158 : f32
    %iota3A_1161 = tpu.iota {dimensions = array<i32: 1>} : vector<32x32xi32>
    %iota3A_1162 = tpu.iota {dimensions = array<i32: 0>} : vector<32x32xi32>
    %convert_element_type3A_1163 = arith.sitofp %iota3A_1162 : vector<32x32xi32> to vector<32x32xf32>
    %sub3A_1164 = vector.broadcast %convert_element_type3A_1129 : i32 to vector<32x32xi32>
    %sub3A_1165 = arith.subi %iota3A_1161, %sub3A_1164 : vector<32x32xi32>
    %jit3A_1166 = arith.constant 0 : i32
    %jit3A_1167 = arith.constant 31 : i32
    %max3A_1168 = vector.broadcast %jit3A_1166 : i32 to vector<32x32xi32>
    %max3A_1169 = arith.maxsi %max3A_1168, %sub3A_1165 : vector<32x32xi32>
    %min3A_1170 = vector.broadcast %jit3A_1167 : i32 to vector<32x32xi32>
    %min3A_1171 = arith.minsi %min3A_1170, %max3A_1169 : vector<32x32xi32>
    %convert_element_type3A_1172 = arith.sitofp %min3A_1171 : vector<32x32xi32> to vector<32x32xf32>
    %add3A_1173 = arith.constant 5.000000e-01 : f32
    %add3A_1174 = vector.broadcast %add3A_1173 : f32 to vector<32x32xf32>
    %add3A_1175 = arith.addf %convert_element_type3A_1172, %add3A_1174 : vector<32x32xf32>
    %mul3A_1176 = vector.broadcast %div3A_1160 : f32 to vector<32x32xf32>
    %mul3A_1177 = arith.mulf %add3A_1175, %mul3A_1176 : vector<32x32xf32>
    %sub3A_1178 = arith.constant 5.000000e-01 : f32
    %sub3A_1179 = vector.broadcast %sub3A_1178 : f32 to vector<32x32xf32>
    %sub3A_1180 = arith.subf %mul3A_1177, %sub3A_1179 : vector<32x32xf32>
    %sub3A_1181 = arith.subf %sub3A_1180, %convert_element_type3A_1163 : vector<32x32xf32>
    %abs3A_1182 = math.absf %sub3A_1181 : vector<32x32xf32>
    %div3A_1183 = vector.broadcast %div3A_1160 : f32 to vector<32x32xf32>
    %div3A_1184 = arith.divf %abs3A_1182, %div3A_1183 : vector<32x32xf32>
    %sub3A_1185 = arith.constant 1.000000e+00 : f32
    %sub3A_1186 = vector.broadcast %sub3A_1185 : f32 to vector<32x32xf32>
    %sub3A_1187 = arith.subf %sub3A_1186, %div3A_1184 : vector<32x32xf32>
    %max3A_1188 = arith.constant 0.000000e+00 : f32
    %max3A_1189 = vector.broadcast %max3A_1188 : f32 to vector<32x32xf32>
    %max3A_1190 = arith.maximumf %max3A_1189, %sub3A_1187 : vector<32x32xf32>
    %reduce_sum3A_1191 = arith.constant dense<0.000000e+00> : vector<32xf32>
    %reduce_sum3A_1192 = vector.multi_reduction <add>, %max3A_1190, %reduce_sum3A_1191 [0] : vector<32x32xf32> to vector<32xf32>
    %broadcast_in_dim3A_1193 = vector.shape_cast %reduce_sum3A_1192 : vector<32xf32> to vector<1x32xf32>
    %abs3A_1194 = math.absf %broadcast_in_dim3A_1193 : vector<1x32xf32>
    %gt3A_1195 = arith.constant 1.1920929E-4 : f32
    %gt3A_1196 = vector.broadcast %gt3A_1195 : f32 to vector<1x32xf32>
    %gt3A_1197 = arith.cmpf ogt, %abs3A_1194, %gt3A_1196 : vector<1x32xf32>
    %ne3A_1198 = arith.constant 0.000000e+00 : f32
    %ne3A_1199 = vector.broadcast %ne3A_1198 : f32 to vector<1x32xf32>
    %ne3A_1200 = arith.cmpf one, %broadcast_in_dim3A_1193, %ne3A_1199 : vector<1x32xf32>
    %jit3A_1201 = arith.constant 1.000000e+00 : f32
    %broadcast_in_dim3A_1202 = vector.broadcast %jit3A_1201 : f32 to vector<1x32xf32>
    %select_n3A_1203 = arith.select %ne3A_1200, %broadcast_in_dim3A_1193, %broadcast_in_dim3A_1202 : vector<1x32xi1>, vector<1x32xf32>
    %div3A_1204 = vector.broadcast %select_n3A_1203 : vector<1x32xf32> to vector<32x32xf32>
    %div3A_1205 = arith.divf %max3A_1190, %div3A_1204 : vector<32x32xf32>
    %jit3A_1206 = arith.constant 0.000000e+00 : f32
    %broadcast_in_dim3A_1207 = vector.shape_cast %gt3A_1197 : vector<1x32xi1> to vector<1x32xi1>
    %broadcast_in_dim3A_1208 = vector.broadcast %broadcast_in_dim3A_1207 : vector<1x32xi1> to vector<32x32xi1>
    %broadcast_in_dim3A_1209 = vector.broadcast %jit3A_1206 : f32 to vector<32x32xf32>
    %select_n3A_1210 = arith.select %broadcast_in_dim3A_1208, %div3A_1205, %broadcast_in_dim3A_1209 : vector<32x32xi1>, vector<32x32xf32>
    %ge3A_1211 = arith.constant -5.000000e-01 : f32
    %ge3A_1212 = vector.broadcast %ge3A_1211 : f32 to vector<32x32xf32>
    %ge3A_1213 = arith.cmpf oge, %sub3A_1180, %ge3A_1212 : vector<32x32xf32>
    %le3A_1214 = arith.constant 3.150000e+01 : f32
    %le3A_1215 = vector.broadcast %le3A_1214 : f32 to vector<32x32xf32>
    %le3A_1216 = arith.cmpf ole, %sub3A_1180, %le3A_1215 : vector<32x32xf32>
    %and3A_1217 = arith.andi %ge3A_1213, %le3A_1216 : vector<32x32xi1>
    %jit3A_1218 = arith.constant 0.000000e+00 : f32
    %broadcast_in_dim3A_1219 = vector.broadcast %jit3A_1218 : f32 to vector<32x32xf32>
    %select_n3A_1220 = arith.select %and3A_1217, %select_n3A_1210, %broadcast_in_dim3A_1219 : vector<32x32xi1>, vector<32x32xf32>
    %sub3A_1221 = arith.subi %convert_element_type3A_1135, %convert_element_type3A_1133 : i32
    %add3A_1222 = arith.constant 1 : i32
    %add3A_1223 = arith.addi %sub3A_1221, %add3A_1222 : i32
    %convert_element_type3A_1224 = arith.sitofp %add3A_1223 : i32 to f32
    %div3A_1225 = arith.constant 3.200000e+01 : f32
    %div3A_1226 = arith.divf %div3A_1225, %convert_element_type3A_1224 : f32
    %iota3A_1227 = tpu.iota {dimensions = array<i32: 1>} : vector<32x32xi32>
    %iota3A_1228 = tpu.iota {dimensions = array<i32: 0>} : vector<32x32xi32>
    %convert_element_type3A_1229 = arith.sitofp %iota3A_1228 : vector<32x32xi32> to vector<32x32xf32>
    %sub3A_1230 = vector.broadcast %convert_element_type3A_1133 : i32 to vector<32x32xi32>
    %sub3A_1231 = arith.subi %iota3A_1227, %sub3A_1230 : vector<32x32xi32>
    %jit3A_1232 = arith.constant 0 : i32
    %jit3A_1233 = arith.constant 31 : i32
    %max3A_1234 = vector.broadcast %jit3A_1232 : i32 to vector<32x32xi32>
    %max3A_1235 = arith.maxsi %max3A_1234, %sub3A_1231 : vector<32x32xi32>
    %min3A_1236 = vector.broadcast %jit3A_1233 : i32 to vector<32x32xi32>
    %min3A_1237 = arith.minsi %min3A_1236, %max3A_1235 : vector<32x32xi32>
    %convert_element_type3A_1238 = arith.sitofp %min3A_1237 : vector<32x32xi32> to vector<32x32xf32>
    %add3A_1239 = arith.constant 5.000000e-01 : f32
    %add3A_1240 = vector.broadcast %add3A_1239 : f32 to vector<32x32xf32>
    %add3A_1241 = arith.addf %convert_element_type3A_1238, %add3A_1240 : vector<32x32xf32>
    %mul3A_1242 = vector.broadcast %div3A_1226 : f32 to vector<32x32xf32>
    %mul3A_1243 = arith.mulf %add3A_1241, %mul3A_1242 : vector<32x32xf32>
    %sub3A_1244 = arith.constant 5.000000e-01 : f32
    %sub3A_1245 = vector.broadcast %sub3A_1244 : f32 to vector<32x32xf32>
    %sub3A_1246 = arith.subf %mul3A_1243, %sub3A_1245 : vector<32x32xf32>
    %sub3A_1247 = arith.subf %sub3A_1246, %convert_element_type3A_1229 : vector<32x32xf32>
    %abs3A_1248 = math.absf %sub3A_1247 : vector<32x32xf32>
    %div3A_1249 = vector.broadcast %div3A_1226 : f32 to vector<32x32xf32>
    %div3A_1250 = arith.divf %abs3A_1248, %div3A_1249 : vector<32x32xf32>
    %sub3A_1251 = arith.constant 1.000000e+00 : f32
    %sub3A_1252 = vector.broadcast %sub3A_1251 : f32 to vector<32x32xf32>
    %sub3A_1253 = arith.subf %sub3A_1252, %div3A_1250 : vector<32x32xf32>
    %max3A_1254 = arith.constant 0.000000e+00 : f32
    %max3A_1255 = vector.broadcast %max3A_1254 : f32 to vector<32x32xf32>
    %max3A_1256 = arith.maximumf %max3A_1255, %sub3A_1253 : vector<32x32xf32>
    %reduce_sum3A_1257 = arith.constant dense<0.000000e+00> : vector<32xf32>
    %reduce_sum3A_1258 = vector.multi_reduction <add>, %max3A_1256, %reduce_sum3A_1257 [0] : vector<32x32xf32> to vector<32xf32>
    %broadcast_in_dim3A_1259 = vector.shape_cast %reduce_sum3A_1258 : vector<32xf32> to vector<1x32xf32>
    %abs3A_1260 = math.absf %broadcast_in_dim3A_1259 : vector<1x32xf32>
    %gt3A_1261 = arith.constant 1.1920929E-4 : f32
    %gt3A_1262 = vector.broadcast %gt3A_1261 : f32 to vector<1x32xf32>
    %gt3A_1263 = arith.cmpf ogt, %abs3A_1260, %gt3A_1262 : vector<1x32xf32>
    %ne3A_1264 = arith.constant 0.000000e+00 : f32
    %ne3A_1265 = vector.broadcast %ne3A_1264 : f32 to vector<1x32xf32>
    %ne3A_1266 = arith.cmpf one, %broadcast_in_dim3A_1259, %ne3A_1265 : vector<1x32xf32>
    %jit3A_1267 = arith.constant 1.000000e+00 : f32
    %broadcast_in_dim3A_1268 = vector.broadcast %jit3A_1267 : f32 to vector<1x32xf32>
    %select_n3A_1269 = arith.select %ne3A_1266, %broadcast_in_dim3A_1259, %broadcast_in_dim3A_1268 : vector<1x32xi1>, vector<1x32xf32>
    %div3A_1270 = vector.broadcast %select_n3A_1269 : vector<1x32xf32> to vector<32x32xf32>
    %div3A_1271 = arith.divf %max3A_1256, %div3A_1270 : vector<32x32xf32>
    %jit3A_1272 = arith.constant 0.000000e+00 : f32
    %broadcast_in_dim3A_1273 = vector.shape_cast %gt3A_1263 : vector<1x32xi1> to vector<1x32xi1>
    %broadcast_in_dim3A_1274 = vector.broadcast %broadcast_in_dim3A_1273 : vector<1x32xi1> to vector<32x32xi1>
    %broadcast_in_dim3A_1275 = vector.broadcast %jit3A_1272 : f32 to vector<32x32xf32>
    %select_n3A_1276 = arith.select %broadcast_in_dim3A_1274, %div3A_1271, %broadcast_in_dim3A_1275 : vector<32x32xi1>, vector<32x32xf32>
    %ge3A_1277 = arith.constant -5.000000e-01 : f32
    %ge3A_1278 = vector.broadcast %ge3A_1277 : f32 to vector<32x32xf32>
    %ge3A_1279 = arith.cmpf oge, %sub3A_1246, %ge3A_1278 : vector<32x32xf32>
    %le3A_1280 = arith.constant 3.150000e+01 : f32
    %le3A_1281 = vector.broadcast %le3A_1280 : f32 to vector<32x32xf32>
    %le3A_1282 = arith.cmpf ole, %sub3A_1246, %le3A_1281 : vector<32x32xf32>
    %and3A_1283 = arith.andi %ge3A_1279, %le3A_1282 : vector<32x32xi1>
    %jit3A_1284 = arith.constant 0.000000e+00 : f32
    %broadcast_in_dim3A_1285 = vector.broadcast %jit3A_1284 : f32 to vector<32x32xf32>
    %select_n3A_1286 = arith.select %and3A_1283, %select_n3A_1276, %broadcast_in_dim3A_1285 : vector<32x32xi1>, vector<32x32xf32>
    %concatenate3A = tpu.concatenate %select_n3A_136, %select_n3A_353, %select_n3A_570, %select_n3A_787, %select_n3A_1004, %select_n3A_1220 in 1 : vector<32x32xf32>, vector<32x32xf32>, vector<32x32xf32>, vector<32x32xf32>, vector<32x32xf32>, vector<32x32xf32> -> vector<32x192xf32>
    %convert_element_type3A_1287 = arith.truncf %concatenate3A : vector<32x192xf32> to vector<32x192xbf16>
    %get3A_1288 = arith.constant 0 : index
    %get3A_1289 = arith.constant 0 : index
    %get3A_1290 = vector.load %arg2[%get3A_1288, %get3A_1289] : memref<32x24576xbf16, #tpu.memory_space<vmem>>, vector<32x24576xbf16>
    %dot_general3A = arith.constant dense<0.000000e+00> : vector<192x24576xf32>
    %dot_general3A_1291 = tpu.matmul %convert_element_type3A_1287, %get3A_1290, %dot_general3A {dimension_numbers = #tpu.dot_dimension_numbers<[0], [0], [1], [1], [0, 1, 1, 1], [], []>, transpose_lhs_hint = false} : vector<32x192xbf16>, vector<32x24576xbf16>, vector<192x24576xf32> -> vector<192x24576xf32>
    %convert_element_type3A_1292 = arith.truncf %dot_general3A_1291 : vector<192x24576xf32> to vector<192x24576xbf16>
    %reshape3A = vector.shape_cast %convert_element_type3A_1292 : vector<192x24576xbf16> to vector<6x32x32x768xbf16>
    %transpose3A = tpu.transpose %reshape3A, [0, 2, 1, 3] : vector<6x32x32x768xbf16> -> vector<6x32x32x768xbf16>
    %convert_element_type3A_1293 = arith.truncf %select_n3A_202 : vector<32x32xf32> to vector<32x32xbf16>
    %slice3A = vector.extract_strided_slice %transpose3A {offsets = [0, 0, 0, 0], sizes = [1, 32, 32, 768], strides = [1, 1, 1, 1]} : vector<6x32x32x768xbf16> to vector<1x32x32x768xbf16>
    %squeeze3A = vector.shape_cast %slice3A : vector<1x32x32x768xbf16> to vector<32x32x768xbf16>
    %reshape3A_1294 = vector.shape_cast %squeeze3A : vector<32x32x768xbf16> to vector<32x24576xbf16>
    %dot_general3A_1295 = arith.constant dense<0.000000e+00> : vector<32x24576xf32>
    %dot_general3A_1296 = tpu.matmul %convert_element_type3A_1293, %reshape3A_1294, %dot_general3A_1295 {dimension_numbers = #tpu.dot_dimension_numbers<[0], [0], [1], [1], [0, 1, 1, 1], [], []>, transpose_lhs_hint = false} : vector<32x32xbf16>, vector<32x24576xbf16>, vector<32x24576xf32> -> vector<32x24576xf32>
    %convert_element_type3A_1297 = arith.truncf %mul3A_76 : vector<32x32xf32> to vector<32x32xbf16>
    %get3A_1298 = arith.constant 0 : index
    %get3A_1299 = arith.constant 0 : index
    %get3A_1300 = vector.load %arg3[%get3A_1298, %get3A_1299] : memref<32x24576xbf16, #tpu.memory_space<vmem>>, vector<32x24576xbf16>
    %dot_general3A_1301 = arith.constant dense<0.000000e+00> : vector<32x24576xf32>
    %dot_general3A_1302 = tpu.matmul %convert_element_type3A_1297, %get3A_1300, %dot_general3A_1301 {dimension_numbers = #tpu.dot_dimension_numbers<[1], [0], [0], [1], [0, 0, 1, 1], [], []>, transpose_lhs_hint = false} : vector<32x32xbf16>, vector<32x24576xbf16>, vector<32x24576xf32> -> vector<32x24576xf32>
    %mul3A_1303 = arith.mulf %dot_general3A_1296, %dot_general3A_1302 : vector<32x24576xf32>
    %reshape3A_1304 = vector.shape_cast %mul3A_1303 : vector<32x24576xf32> to vector<32x32x768xf32>
    %add3A_1305 = arith.addf %broadcast_in_dim3A_3, %reshape3A_1304 : vector<32x32x768xf32>
    %convert_element_type3A_1306 = arith.truncf %select_n3A_419 : vector<32x32xf32> to vector<32x32xbf16>
    %slice3A_1307 = vector.extract_strided_slice %transpose3A {offsets = [1, 0, 0, 0], sizes = [1, 32, 32, 768], strides = [1, 1, 1, 1]} : vector<6x32x32x768xbf16> to vector<1x32x32x768xbf16>
    %squeeze3A_1308 = vector.shape_cast %slice3A_1307 : vector<1x32x32x768xbf16> to vector<32x32x768xbf16>
    %reshape3A_1309 = vector.shape_cast %squeeze3A_1308 : vector<32x32x768xbf16> to vector<32x24576xbf16>
    %dot_general3A_1310 = arith.constant dense<0.000000e+00> : vector<32x24576xf32>
    %dot_general3A_1311 = tpu.matmul %convert_element_type3A_1306, %reshape3A_1309, %dot_general3A_1310 {dimension_numbers = #tpu.dot_dimension_numbers<[0], [0], [1], [1], [0, 1, 1, 1], [], []>, transpose_lhs_hint = false} : vector<32x32xbf16>, vector<32x24576xbf16>, vector<32x24576xf32> -> vector<32x24576xf32>
    %convert_element_type3A_1312 = arith.truncf %mul3A_286 : vector<32x32xf32> to vector<32x32xbf16>
    %get3A_1313 = arith.constant 0 : index
    %get3A_1314 = arith.constant 0 : index
    %get3A_1315 = vector.load %arg3[%get3A_1313, %get3A_1314] : memref<32x24576xbf16, #tpu.memory_space<vmem>>, vector<32x24576xbf16>
    %dot_general3A_1316 = arith.constant dense<0.000000e+00> : vector<32x24576xf32>
    %dot_general3A_1317 = tpu.matmul %convert_element_type3A_1312, %get3A_1315, %dot_general3A_1316 {dimension_numbers = #tpu.dot_dimension_numbers<[1], [0], [0], [1], [0, 0, 1, 1], [], []>, transpose_lhs_hint = false} : vector<32x32xbf16>, vector<32x24576xbf16>, vector<32x24576xf32> -> vector<32x24576xf32>
    %mul3A_1318 = arith.mulf %dot_general3A_1311, %dot_general3A_1317 : vector<32x24576xf32>
    %reshape3A_1319 = vector.shape_cast %mul3A_1318 : vector<32x24576xf32> to vector<32x32x768xf32>
    %add3A_1320 = arith.addf %add3A_1305, %reshape3A_1319 : vector<32x32x768xf32>
    %convert_element_type3A_1321 = arith.truncf %select_n3A_636 : vector<32x32xf32> to vector<32x32xbf16>
    %slice3A_1322 = vector.extract_strided_slice %transpose3A {offsets = [2, 0, 0, 0], sizes = [1, 32, 32, 768], strides = [1, 1, 1, 1]} : vector<6x32x32x768xbf16> to vector<1x32x32x768xbf16>
    %squeeze3A_1323 = vector.shape_cast %slice3A_1322 : vector<1x32x32x768xbf16> to vector<32x32x768xbf16>
    %reshape3A_1324 = vector.shape_cast %squeeze3A_1323 : vector<32x32x768xbf16> to vector<32x24576xbf16>
    %dot_general3A_1325 = arith.constant dense<0.000000e+00> : vector<32x24576xf32>
    %dot_general3A_1326 = tpu.matmul %convert_element_type3A_1321, %reshape3A_1324, %dot_general3A_1325 {dimension_numbers = #tpu.dot_dimension_numbers<[0], [0], [1], [1], [0, 1, 1, 1], [], []>, transpose_lhs_hint = false} : vector<32x32xbf16>, vector<32x24576xbf16>, vector<32x24576xf32> -> vector<32x24576xf32>
    %convert_element_type3A_1327 = arith.truncf %mul3A_503 : vector<32x32xf32> to vector<32x32xbf16>
    %get3A_1328 = arith.constant 0 : index
    %get3A_1329 = arith.constant 0 : index
    %get3A_1330 = vector.load %arg3[%get3A_1328, %get3A_1329] : memref<32x24576xbf16, #tpu.memory_space<vmem>>, vector<32x24576xbf16>
    %dot_general3A_1331 = arith.constant dense<0.000000e+00> : vector<32x24576xf32>
    %dot_general3A_1332 = tpu.matmul %convert_element_type3A_1327, %get3A_1330, %dot_general3A_1331 {dimension_numbers = #tpu.dot_dimension_numbers<[1], [0], [0], [1], [0, 0, 1, 1], [], []>, transpose_lhs_hint = false} : vector<32x32xbf16>, vector<32x24576xbf16>, vector<32x24576xf32> -> vector<32x24576xf32>
    %mul3A_1333 = arith.mulf %dot_general3A_1326, %dot_general3A_1332 : vector<32x24576xf32>
    %reshape3A_1334 = vector.shape_cast %mul3A_1333 : vector<32x24576xf32> to vector<32x32x768xf32>
    %add3A_1335 = arith.addf %add3A_1320, %reshape3A_1334 : vector<32x32x768xf32>
    %convert_element_type3A_1336 = arith.truncf %select_n3A_853 : vector<32x32xf32> to vector<32x32xbf16>
    %slice3A_1337 = vector.extract_strided_slice %transpose3A {offsets = [3, 0, 0, 0], sizes = [1, 32, 32, 768], strides = [1, 1, 1, 1]} : vector<6x32x32x768xbf16> to vector<1x32x32x768xbf16>
    %squeeze3A_1338 = vector.shape_cast %slice3A_1337 : vector<1x32x32x768xbf16> to vector<32x32x768xbf16>
    %reshape3A_1339 = vector.shape_cast %squeeze3A_1338 : vector<32x32x768xbf16> to vector<32x24576xbf16>
    %dot_general3A_1340 = arith.constant dense<0.000000e+00> : vector<32x24576xf32>
    %dot_general3A_1341 = tpu.matmul %convert_element_type3A_1336, %reshape3A_1339, %dot_general3A_1340 {dimension_numbers = #tpu.dot_dimension_numbers<[0], [0], [1], [1], [0, 1, 1, 1], [], []>, transpose_lhs_hint = false} : vector<32x32xbf16>, vector<32x24576xbf16>, vector<32x24576xf32> -> vector<32x24576xf32>
    %convert_element_type3A_1342 = arith.truncf %mul3A_720 : vector<32x32xf32> to vector<32x32xbf16>
    %get3A_1343 = arith.constant 0 : index
    %get3A_1344 = arith.constant 0 : index
    %get3A_1345 = vector.load %arg3[%get3A_1343, %get3A_1344] : memref<32x24576xbf16, #tpu.memory_space<vmem>>, vector<32x24576xbf16>
    %dot_general3A_1346 = arith.constant dense<0.000000e+00> : vector<32x24576xf32>
    %dot_general3A_1347 = tpu.matmul %convert_element_type3A_1342, %get3A_1345, %dot_general3A_1346 {dimension_numbers = #tpu.dot_dimension_numbers<[1], [0], [0], [1], [0, 0, 1, 1], [], []>, transpose_lhs_hint = false} : vector<32x32xbf16>, vector<32x24576xbf16>, vector<32x24576xf32> -> vector<32x24576xf32>
    %mul3A_1348 = arith.mulf %dot_general3A_1341, %dot_general3A_1347 : vector<32x24576xf32>
    %reshape3A_1349 = vector.shape_cast %mul3A_1348 : vector<32x24576xf32> to vector<32x32x768xf32>
    %add3A_1350 = arith.addf %add3A_1335, %reshape3A_1349 : vector<32x32x768xf32>
    %convert_element_type3A_1351 = arith.truncf %select_n3A_1070 : vector<32x32xf32> to vector<32x32xbf16>
    %slice3A_1352 = vector.extract_strided_slice %transpose3A {offsets = [4, 0, 0, 0], sizes = [1, 32, 32, 768], strides = [1, 1, 1, 1]} : vector<6x32x32x768xbf16> to vector<1x32x32x768xbf16>
    %squeeze3A_1353 = vector.shape_cast %slice3A_1352 : vector<1x32x32x768xbf16> to vector<32x32x768xbf16>
    %reshape3A_1354 = vector.shape_cast %squeeze3A_1353 : vector<32x32x768xbf16> to vector<32x24576xbf16>
    %dot_general3A_1355 = arith.constant dense<0.000000e+00> : vector<32x24576xf32>
    %dot_general3A_1356 = tpu.matmul %convert_element_type3A_1351, %reshape3A_1354, %dot_general3A_1355 {dimension_numbers = #tpu.dot_dimension_numbers<[0], [0], [1], [1], [0, 1, 1, 1], [], []>, transpose_lhs_hint = false} : vector<32x32xbf16>, vector<32x24576xbf16>, vector<32x24576xf32> -> vector<32x24576xf32>
    %convert_element_type3A_1357 = arith.truncf %mul3A_937 : vector<32x32xf32> to vector<32x32xbf16>
    %get3A_1358 = arith.constant 0 : index
    %get3A_1359 = arith.constant 0 : index
    %get3A_1360 = vector.load %arg3[%get3A_1358, %get3A_1359] : memref<32x24576xbf16, #tpu.memory_space<vmem>>, vector<32x24576xbf16>
    %dot_general3A_1361 = arith.constant dense<0.000000e+00> : vector<32x24576xf32>
    %dot_general3A_1362 = tpu.matmul %convert_element_type3A_1357, %get3A_1360, %dot_general3A_1361 {dimension_numbers = #tpu.dot_dimension_numbers<[1], [0], [0], [1], [0, 0, 1, 1], [], []>, transpose_lhs_hint = false} : vector<32x32xbf16>, vector<32x24576xbf16>, vector<32x24576xf32> -> vector<32x24576xf32>
    %mul3A_1363 = arith.mulf %dot_general3A_1356, %dot_general3A_1362 : vector<32x24576xf32>
    %reshape3A_1364 = vector.shape_cast %mul3A_1363 : vector<32x24576xf32> to vector<32x32x768xf32>
    %add3A_1365 = arith.addf %add3A_1350, %reshape3A_1364 : vector<32x32x768xf32>
    %convert_element_type3A_1366 = arith.truncf %select_n3A_1286 : vector<32x32xf32> to vector<32x32xbf16>
    %slice3A_1367 = vector.extract_strided_slice %transpose3A {offsets = [5, 0, 0, 0], sizes = [1, 32, 32, 768], strides = [1, 1, 1, 1]} : vector<6x32x32x768xbf16> to vector<1x32x32x768xbf16>
    %squeeze3A_1368 = vector.shape_cast %slice3A_1367 : vector<1x32x32x768xbf16> to vector<32x32x768xbf16>
    %reshape3A_1369 = vector.shape_cast %squeeze3A_1368 : vector<32x32x768xbf16> to vector<32x24576xbf16>
    %dot_general3A_1370 = arith.constant dense<0.000000e+00> : vector<32x24576xf32>
    %dot_general3A_1371 = tpu.matmul %convert_element_type3A_1366, %reshape3A_1369, %dot_general3A_1370 {dimension_numbers = #tpu.dot_dimension_numbers<[0], [0], [1], [1], [0, 1, 1, 1], [], []>, transpose_lhs_hint = false} : vector<32x32xbf16>, vector<32x24576xbf16>, vector<32x24576xf32> -> vector<32x24576xf32>
    %convert_element_type3A_1372 = arith.truncf %mul3A_1154 : vector<32x32xf32> to vector<32x32xbf16>
    %get3A_1373 = arith.constant 0 : index
    %get3A_1374 = arith.constant 0 : index
    %get3A_1375 = vector.load %arg3[%get3A_1373, %get3A_1374] : memref<32x24576xbf16, #tpu.memory_space<vmem>>, vector<32x24576xbf16>
    %dot_general3A_1376 = arith.constant dense<0.000000e+00> : vector<32x24576xf32>
    %dot_general3A_1377 = tpu.matmul %convert_element_type3A_1372, %get3A_1375, %dot_general3A_1376 {dimension_numbers = #tpu.dot_dimension_numbers<[1], [0], [0], [1], [0, 0, 1, 1], [], []>, transpose_lhs_hint = false} : vector<32x32xbf16>, vector<32x24576xbf16>, vector<32x24576xf32> -> vector<32x24576xf32>
    %mul3A_1378 = arith.mulf %dot_general3A_1371, %dot_general3A_1377 : vector<32x24576xf32>
    %reshape3A_1379 = vector.shape_cast %mul3A_1378 : vector<32x24576xf32> to vector<32x32x768xf32>
    %add3A_1380 = arith.addf %add3A_1365, %reshape3A_1379 : vector<32x32x768xf32>
    %reshape3A_1381 = vector.shape_cast %add3A_1380 : vector<32x32x768xf32> to vector<1024x768xf32>
    %swap3A = arith.constant 0 : index
    %swap3A_1382 = arith.constant 0 : index
    %swap3A_1383 = vector.load %arg4[%swap3A, %swap3A_1382] : memref<1024x768xf32, #tpu.memory_space<vmem>>, vector<1024x768xf32>
    tpu.vector_store %arg4[%swap3A, %swap3A_1382], %reshape3A_1381 {strides = array<i32>} : memref<1024x768xf32, #tpu.memory_space<vmem>>, vector<1024x768xf32>,
    return
  }
  func.func @transform_0(%arg0: i32) -> (i32, i32) {
    %c0_i32 = arith.constant 0 : i32
    %c0_i32_0 = arith.constant 0 : i32
    %c0_i32_1 = arith.constant 0 : i32
    return %c0_i32, %c0_i32_0 : i32, i32
  }
  func.func @transform_1(%arg0: i32) -> (i32, i32) {
    %c0_i32 = arith.constant 0 : i32
    %c0_i32_0 = arith.constant 0 : i32
    %c0_i32_1 = arith.constant 0 : i32
    return %c0_i32, %c0_i32_0 : i32, i32
  }
  func.func @transform_2(%arg0: i32) -> (i32, i32) {
    %c0_i32 = arith.constant 0 : i32
    %c0_i32_0 = arith.constant 0 : i32
    %c0_i32_1 = arith.constant 0 : i32
    return %c0_i32, %c0_i32_0 : i32, i32
  }
  func.func @transform_3(%arg0: i32) -> (i32, i32) {
    %c0_i32 = arith.constant 0 : i32
    %c0_i32_0 = arith.constant 0 : i32
    %c0_i32_1 = arith.constant 0 : i32
    return %c0_i32, %c0_i32_0 : i32, i32
  }
}

</mosaic_0001>

<sc_bundles>
// kernel: kernel.4.cloned.1.call-start
scs
__scs_entry_jumppad:
0x0: {  	(pc) =	sbr.rel $0x88, $3  }
0x1: {  	(tag) =	ssettag $0x0;
	lr =	simm.s32 $0x1  }
0x2: {  	[smem:$0x3F9E] =	sst lr;
	_ =	strace $0xD0000000  }
0x3: {  	_ = 	snop  }
0x4: {  	_ = 	snop  }
0x5: {  	_ = 	snop  }
0x6: {  	_ = 	snop  }
0x7: {  	_ = 	snop  }
__scs_overlays_trampoline_lowered:
0x8: {  	[smem:$0x3FAD] =	sst s0  }
0x9: {  	[smem:$0x3FAE] =	sst s1  }
0xa: {  	[smem:$0x3FAF] =	sst s2  }
0xb: {  	[smem:$0x3FB0] =	sst s3  }
0xc: {  	[smem:$0x3FB1] =	sst s4  }
0xd: {  	[smem:$0x3FB2] =	sst s5  }
0xe: {  	[smem:$0x3FB3] =	sst s6  }
0xf: {  	[smem:$0x3FB4] =	sst s7  }
0x10: {  	[smem:$0x3FB5] =	sst s8  }
0x11: {  	[smem:$0x3FB6] =	sst s9;
	s0 =	simm.s32 @!p0 $0x0  }
0x12: {  	s1 =	sld [smem:$0x3F9C];
	s0 =	simm.s32 @p0 $0x1  }
0x13: {  	[smem:$0x3FB7] =	sst s0;
	s0 =	simm.s32 @!p1 $0x0  }
0x14: {  	s2 =	sld [smem:$0x3F9B];
	s0 =	simm.s32 @p1 $0x1  }
0x15: {  	[smem:$0x3FB8] =	sst s0;
	s0 =	simm.s32 @!p2 $0x0  }
0x16: {  	s3 =	sld [smem:$0x3FDB];
	s0 =	simm.s32 @p2 $0x1  }
0x17: {  	s4 =	simm.s32 $0x1BF5;
	[smem:$0x3FBA] =	sst s0  }
0x18: {  	s0 =	sld [smem:$0x3F9D];
	_ =	swait.ge [sflag:s4], $0x0  }
0x19: {  	s7 =	sld [smem:$0x3F9E]  }
0x1a: {  	s8 =	sadd.s32 $0xFFFFE003, lr  }
0x1b: {  	s9 =	sadd.s32 $0xFFFFFEF7, lr;
	s5 =	simm.s32 $0xFFFFFFFF;
	p2 =	slt.u32 s8, $0xFFFFF086  }
0x1c: {  	p1 =	slt.u32 s9, $0xF7A;
	s5 =	simm.s32 @!p2 $0x0  }
0x1d: {  	s5 =	simm.s32 @p1 $0x1;
	p0 =	seq.s32 s7, s2  }
0x1e: {  	s7 =	smul.u32 @!p0 $0xF7A, s2;
	p2 =	seq.s32 @!p0 s5, $0x0  }
0x1f: {  	s9 =	smul.u32 $0xF7A, s1;
	s8 =	simm.s32 @!p0 $0x1BF5;
	p2 =	por !p2, p0  }
0x20: {  	[sflag:s8] =	ssyncset.s32 @!p0 $0xFFFFF086;
	s6 =	sadd.s32 @!p0 s3, s7;
	s7 =	simm.s32 @!p0 $0x108  }
0x21: {  	s3 =	sadd.s32 s3, s9;
	s6 =	sadd.s32 @!p0 $0x88, s6;
	s7 =	simm.s32 @p2 $0x1082  }
0x22: {  	[simem:s7], [sflag:s8] =	dma.local @!p0 [hbm:s6], $0xF7A  }
0x23: {  	s9 =	sor.u32 $0xD0000000, s2;
	s6 =	simm.s32 $0x108;
	_ =	swait.ge @!p0 [sflag:s8], $0x0  }
0x24: {  	s3 =	sadd.s32 $0x88, s3;
	s6 =	simm.s32 @!p1 $0x1082;
	[sflag:s4] =	ssyncset.s32 $0xFFFFF086  }
0x25: {  	[simem:s6], [sflag:s4] =	dma.local [hbm:s3], $0xF7A  }
0x26: {  	[smem:$0x3F9E] =	sst s1;
	(tag) =	ssettag s2;
	_ =	strace s9  }
0x27: {  	s1 =	sld [smem:$0x3FAE]  }
0x28: {  	s2 =	sld [smem:$0x3FAF]  }
0x29: {  	s4 =	sld [smem:$0x3FB1]  }
0x2a: {  	p0 =	seq.s32 s5, $0x0;
	s5 =	sld [smem:$0x3FB2]  }
0x2b: {  	s6 =	sld [smem:$0x3FB3]  }
0x2c: {  	s7 =	sld [smem:$0x3FB4]  }
0x2d: {  	s3 =	simm.s32 $0x108;
	s8 =	sld [smem:$0x3FB5]  }
0x2e: {  	s3 =	simm.s32 @!p0 $0x1082;
	s9 =	sld [smem:$0x3FB6]  }
0x2f: {  	lr =	sadd.s32 s0, s3;
	s0 =	sld [smem:$0x3FAD]  }
0x30: {  	s3 =	sld [smem:$0x3FB0]  }
0x31: {  	[smem:$0x3FB9] =	sst s10  }
0x32: {  	s10 =	sld [smem:$0x3FB7];
	_ =	sdelay $0x3  }
0x33: {  	p0 =	seq.s32 s10, $0x1;
	s10 =	sld [smem:$0x3FB9];
	_ =	sdelay $0x3  }
0x34: {  	[smem:$0x3FB9] =	sst s10  }
0x35: {  	s10 =	sld [smem:$0x3FB8];
	_ =	sdelay $0x3  }
0x36: {  	p1 =	seq.s32 s10, $0x1;
	s10 =	sld [smem:$0x3FB9];
	_ =	sdelay $0x3  }
0x37: {  	[smem:$0x3FB9] =	sst s10  }
0x38: {  	s10 =	sld [smem:$0x3FBA]  }
0x39: {  	_ = 	snop;
	(pc) =	sbr.ind lr, $3  }
0x3a: {  	_ = 	snop  }
0x3b: {  	_ = 	snop  }
0x3c: {  	p2 =	seq.s32 s10, $0x1;
	s10 =	sld [smem:$0x3FB9]  }
0x3d: {  	_ =	shalt  }
0x3e: {  	_ =	shalt  }
0x3f: {  	_ =	shalt  }
0x40: {  	_ =	shalt  }
0x41: {  	_ =	shalt  }
0x42: {  	_ =	shalt  }
0x43: {  	_ =	shalt  }
0x44: {  	_ =	shalt  }
0x45: {  	_ =	shalt  }
0x46: {  	_ =	shalt  }
0x47: {  	_ =	shalt  }
0x48: {  	_ =	shalt  }
0x49: {  	_ =	shalt  }
0x4a: {  	_ =	shalt  }
0x4b: {  	_ =	shalt  }
0x4c: {  	_ =	shalt  }
0x4d: {  	_ =	shalt  }
0x4e: {  	_ =	shalt  }
0x4f: {  	_ =	shalt  }
0x50: {  	_ =	shalt  }
0x51: {  	_ =	shalt  }
0x52: {  	_ =	shalt  }
0x53: {  	_ =	shalt  }
0x54: {  	_ =	shalt  }
0x55: {  	_ =	shalt  }
0x56: {  	_ =	shalt  }
0x57: {  	_ =	shalt  }
0x58: {  	_ =	shalt  }
0x59: {  	_ =	shalt  }
0x5a: {  	_ =	shalt  }
0x5b: {  	_ =	shalt  }
0x5c: {  	_ =	shalt  }
0x5d: {  	_ =	shalt  }
0x5e: {  	_ =	shalt  }
0x5f: {  	_ =	shalt  }
0x60: {  	_ =	shalt  }
0x61: {  	_ =	shalt  }
0x62: {  	_ =	shalt  }
0x63: {  	_ =	shalt  }
0x64: {  	_ =	shalt  }
0x65: {  	_ =	shalt  }
0x66: {  	_ =	shalt  }
0x67: {  	_ =	shalt  }
0x68: {  	_ =	shalt  }
0x69: {  	_ =	shalt  }
0x6a: {  	_ =	shalt  }
0x6b: {  	_ =	shalt  }
0x6c: {  	_ =	shalt  }
0x6d: {  	_ =	shalt  }
0x6e: {  	_ =	shalt  }
0x6f: {  	_ =	shalt  }
0x70: {  	_ =	shalt  }
0x71: {  	_ =	shalt  }
0x72: {  	_ =	shalt  }
0x73: {  	_ =	shalt  }
0x74: {  	_ =	shalt  }
0x75: {  	_ =	shalt  }
0x76: {  	_ =	shalt  }
0x77: {  	_ =	shalt  }
0x78: {  	_ =	shalt  }
0x79: {  	_ =	shalt  }
0x7a: {  	_ =	shalt  }
0x7b: {  	_ =	shalt  }
0x7c: {  	_ =	shalt  }
0x7d: {  	_ =	shalt  }
0x7e: {  	_ =	shalt  }
0x7f: {  	_ =	shalt  }
0x80: {  	_ =	shalt  }
0x81: {  	_ =	shalt  }
0x82: {  	_ =	shalt  }
0x83: {  	_ =	shalt  }
0x84: {  	_ =	shalt  }
0x85: {  	_ =	shalt  }
0x86: {  	_ =	shalt  }
0x87: {  	_ =	shalt  }
.Lfunc_end0:
.L_simem_size_0:
called_computation_lowered:
.L_overlay_start_0:
0x88: {  	s2 =	sld [smem:$0x3FD9]  }
0x89: {  	s3 =	sld [smem:$0x3FFE];
	_ =	sdelay $0x1  }
0x8a: {  	s1 =	srdreg.scid  }
0x8b: {  	s0 =	sand.u32 $0x1, s1  }
0x8c: {  	s17 =	sshll.u32 s0, $0xA;
	s2 =	sadd.s32 s3, s2  }
0x8d: {  	s2 =	sadd.s32 s2, s17  }
0x8e: {  	[smem:$0x3FC5] =	sst s2  }
0x8f: {  	_ = 	snop  }
0x90: {  	s2 =	sld [smem:$0x3FC9]  }
0x91: {  	s18 =	sld [smem:$0x3FD0];
	(tm) =	ssettm $0x1  }
0x92: {  	s4 =	sld [smem:$0x3FFB];
	_ =	sdelay $0x3  }
0x93: {  	_ =	strace s4  }
0x94: {  	s4 =	sld [smem:$0x3FFC];
	_ =	sdelay $0x3  }
0x95: {  	_ =	strace s4  }
0x96: {  	s4 =	sld [smem:$0x3FFD];
	_ =	sdelay $0x3  }
0x97: {  	_ =	strace s4  }
0x98: {  	_ =	strace $0x8FFFFFFF  }
0x99: {  	s19 =	sld [smem:$0x3FDB];
	_ =	sdelay $0x1  }
0x9a: {  	s5 =	simm.s32 $_scs_section_size  }
0x9b: {  	s6 =	simm.s32 $_size__tile_overlayer_lowered;
	s7 =	simm.s32 $_tile_overlayer_lowered  }
0x9c: {  	s22 =	simm.s32 $0x1BFF;
	s21 =	sshll.u32 s7, $0x1;
	s4 =	sadd.s32 s5, s19  }
0x9d: {  	s8 =	simm.s32 $0x0;
	s20 =	sshll.u32 s6, $0x1;
	s6 =	sadd.s32 s21, s4  }
0x9e: {  	[timem:s8], [sflag:s22] =	dma.local [hbm:s6], s20  }
0x9f: {  	_ =	swait.ge [sflag:s22], s20  }
0xa0: {  	s5 =	ssub.s32 $0x0, s20;
	[sflag:s22] =	ssyncset.done $0x0  }
0xa1: {  	[sflag:s22] =	ssyncadd.s32 s5;
	_ =	sdelay $0x1  }
0xa2: {  	s23 =	simm.s32 $0x1B8B  }
0xa3: {  	_ =	swait.ge [sflag:s23], $0x1  }
0xa4: {  	[sflag:s23] =	ssyncset.done $0x0  }
0xa5: {  	s25 =	simm.s32 $0x1B8E;
	s24 =	sld [smem:$0x3FFE];
	[sflag:s23] =	ssyncadd.s32 $0xFFFFFFFF  }
0xa6: {  	s26 =	simm.s32 $execute0_lowered;
	[smem:$0x3FD2] =	sst s25  }
0xa7: {  	s6 =	sshll.u32 s26, $0x1;
	_ =	strace $0x80000046;
	[dreg:$0x1] =	wrdreg $0xFFFFFFFF  }
0xa8: {  	s28 =	simm.s32 $_size_execute0_lowered;
	s4 =	sadd.s32 s4, s6;
	[dreg:$0x0] =	wrdreg $0x0  }
0xa9: {  	s6 =	sshll.u32 s28, $0x1;
	[dreg:$0x2] =	wrdreg s4  }
0xaa: {  	[dreg:$0x3] =	wrdreg s6  }
0xab: {  	[dreg:$0x4] =	wrdreg $0xC0  }
0xac: {  	_ =	task [dreg:s8], $0x5FFFF  }
0xad: {  	[dreg:$0x1] =	wrdreg $0xFFFFFFFF  }
0xae: {  	[dreg:$0x0] =	wrdreg $0x60  }
0xaf: {  	[dreg:$0x2] =	wrdreg s2  }
0xb0: {  	[dreg:$0x3] =	wrdreg s24  }
0xb1: {  	[dreg:$0x4] =	wrdreg s18  }
0xb2: {  	[dreg:$0x5] =	wrdreg $0x9  }
0xb3: {  	_ =	task.clear_ibuf [dreg:s8], $0x6FFFF;
	_ =	strace $0x90000046  }
0xb4: {  	s29 =	simm.s32 $0x9;
	_ =	strace $0x80000048  }
0xb5: {  	_ =	swait.ge [sflag:s29], $0x1  }
0xb6: {  	[sflag:s29] =	ssyncadd.s32 $0xFFFFFFFF  }
0xb7: {  	_ =	strace $0x90000048  }
0xb8: {  	_ =	sfence  }
0xb9: {  	s30 =	sld [smem:$0x0];
	_ =	sdelay $0x2  }
0xba: {  	s31 =	sshll.u32 s1, $0xD;
	s1 =	sshrl.u32 s1, $0x2  }
0xbb: {  	s3 =	sand.u32 $0x4000, s31;
	s1 =	sadd.s32 s1, s30  }
0xbc: {  	s0 =	sor.u32 s3, s0;
	s1 =	sshll.u32 s1, $0x11  }
0xbd: {  	s0 =	sor.u32 s1, s0  }
0xbe: {  	s0 =	sadd.s32 $0x8F2B, s0  }
0xbf: {  	[sflag:s0] =	ssyncadd.remote.s32 $0x1  }
0xc0: {  	_ =	sfence.sel $0xFFFF  }
0xc1: {  	[dreg:$0x0] =	wrdreg $0xFFFFFFFF;
	(pc) =	sbr.abs _section_cstart, $3  }
0xc2: {  	[dreg:$0x1] =	wrdreg $0xFFFFFFFF  }
0xc3: {  	_ =	task.clear_ibuf [dreg:s8], $0x2FFFF;
	_ =	strace $0x9FFFFFFF  }
0xc4: {  	(tm) =	ssettm $0x7FFFFFFF  }
0xc5: {  	_ =	shalt  }
tec
execute0_lowered:
.L_overlay_start_1:
0x0: {  	(tag) =	ssettag $0x1  }
0x1: {  	s9 =	rddreg [dreg:$0x0]  }
0x2: {  	s1 =	srdreg.scid;
	s4 =	rddreg [dreg:$0x1]  }
0x3: {  	s0 =	stileid.u32;
	s11 =	rddreg [dreg:$0x2]  }
0x4: {  	s14 =	simm.s32 $0xC0000;
	s15 =	simm.s32 $0x6000;
	s16 =	simm.s32 $0x12000  }
0x5: {  	s17 =	simm.s32 $0x2;
	s18 =	simm.s32 $0x4;
	s3 =	sand.u32 $0x1, s1  }
0x6: {  	s19 =	simm.s32 $0x3;
	s30 =	sshll.u32 s0, $0x3;
	s2 =	sshll.u32 s3, $0x2  }
0x7: {  	s20 =	simm.s32 $0x5;
	s1 =	rddreg [dreg:$0x3];
	s5 =	sor.u32 s2, s30  }
0x8: {  	s3 =	ssub.s32 $0x2, s3;
	s2 =	simm.s32 $0x0;
	s5 =	smul.u32 $0x1800, s5  }
0x9: {  	s21 =	simm.s32 $0x0;
	s31 =	sshrl.u32 s3, $0x1;
	[smem:$0x7FF] =	sst s2  }
0xa: {  	s12 =	ssub.s32 s3, s31;
	_ =	strace $0x80000047;
	s7 =	sshrl.u32 s5, $0x3  }
0xb: {  	s12 =	smax.u32 s12, $0x1;
	s4 =	sadd.s32 s7, s4;
	s8 =	sadd.s32 $0x30000, s7  }
0xc: {  	s6 =	sadd.s32 s11, s7;
	s10 =	sor.u32 $0x60000, s7;
	s13 =	sadd.s32 $0x90000, s7  }
0xd: {  	s3 =	sadd.s32 $0x800, s4;
	s4 =	sadd.s32 s9, s7;
	s5 =	sadd.s32 s9, s8  }
0xe: {  	s7 =	sadd.s32 s9, s10;
	s8 =	sadd.s32 s11, s8;
	s9 =	sadd.s32 s9, s13  }
0xf: {  	s10 =	sadd.s32 s11, s10;
	s11 =	sadd.s32 s11, s13;
	s13 =	simm.s32 $0x1  }
.LBB2_1:
0x10: {  	[tilespmem:s2], [sflag:$0x1] =	stream.linear.gather [hbm4b:s3+s2], $0x6000, $0x38;
	[tilespmem:$0x1E000] =	vst v63  }
0x11: {  	_ =	swait.ge [sflag:s13], $0x6000  }
0x12: {  	[sflag:s13] =	ssyncset.done $0x0  }
0x13: {  	[sflag:s13] =	ssyncadd.s32 $0xFFFFA000  }
0x14: {  	[tilespmem:s15], [sflag:$0x2] =	stream.strided.gather [hbm4b:s4+s15], $0xC000, s14, s15, $0x38;
	[tilespmem:$0x1E000] =	vst v63  }
0x15: {  	_ = 	snop  }
0x16: {  	[tilespmem:s16], [sflag:$0x3] =	stream.strided.gather [hbm4b:s5+s15], $0xC000, s14, s15, $0x38;
	[tilespmem:$0x1E000] =	vst v63  }
0x17: {  	_ =	swait.ge [sflag:s17], $0xC000  }
0x18: {  	[sflag:s17] =	ssyncset.done $0x0  }
0x19: {  	s22 =	simm.s32 $0x0;
	s23 =	simm.s32 $0x0;
	[sflag:s17] =	ssyncadd.s32 $0xFFFF4000  }
.LBB2_2:
0x1a: {  	s24 =	sand.u32 $0x7, s22  }
0x1b: {  	s24 =	sshll.u32 s24, $0x9  }
0x1c: {  	s25 =	sshrl.u32 s23, $0x3;
	s24 =	sshrl.u32 s24, $0x2  }
0x1d: {  	s25 =	sand.u32 $0x3, s25;
	v0 =	vmov s24  }
0x1e: {  	s25 =	smul.u32 $0x6000, s25;
	_ =	sdelay $0x1  }
0x1f: {  	s26 =	sshrl.u32 s25, $0x2  }
0x20: {  	s29 =	sor.u32 $0x400, s26  }
0x21: {  	v1 =	vld.idx.msk [tilespmem:v0+s29+$0x70 ss:$0x1], $0xffff  }
0x22: {  	v2 =	vld.idx.msk [tilespmem:v0+s29+$0xFFFFFC10 ss:$0x1], $0xffff  }
0x23: {  	v3 =	vld.idx.msk [tilespmem:v0+s29+$0xFFFFFC20 ss:$0x1], $0xffff  }
0x24: {  	v4 =	vld.idx.msk [tilespmem:v0+s29+$0xFFFFFC30 ss:$0x1], $0xffff  }
0x25: {  	v5 =	vld.idx.msk [tilespmem:v0+s29+$0xFFFFFC40 ss:$0x1], $0xffff  }
0x26: {  	v6 =	vld.idx.msk [tilespmem:v0+s29+$0xFFFFFC50 ss:$0x1], $0xffff  }
0x27: {  	v7 =	vld.idx.msk [tilespmem:v0+s29+$0xFFFFFC70 ss:$0x1], $0xffff  }
0x28: {  	v8 =	vld.idx.msk [tilespmem:v0+s29+$0x0 ss:$0x1], $0xffff  }
0x29: {  	s28 =	sshrl.u32 s23, $0x5;
	v9 =	vld.idx.msk [tilespmem:v0+s29+$0x10 ss:$0x1], $0xffff  }
0x2a: {  	s31 =	smul.u32 $0x18000, s28;
	v10 =	vld.idx.msk [tilespmem:v0+s29+$0x20 ss:$0x1], $0xffff  }
0x2b: {  	v11 =	vld.idx.msk [tilespmem:v0+s29+$0x30 ss:$0x1], $0xffff  }
0x2c: {  	s25 =	sadd.s32 s25, s31;
	v12 =	vld.idx.msk [tilespmem:v0+s29+$0x40 ss:$0x1], $0xffff  }
0x2d: {  	s25 =	sshra.s32 s25, $0x2;
	v13 =	vld.idx.msk [tilespmem:v0+s29+$0x50 ss:$0x1], $0xffff  }
0x2e: {  	s25 =	sadd.s32 $0x6000, s25;
	v14 =	vld.idx.msk [tilespmem:v0+s29+$0x60 ss:$0x1], $0xffff  }
0x2f: {  	s28 =	sadd.s32 s24, s25;
	v15 =	vld.idx.msk [tilespmem:v0+s29+$0xFFFFFC00 ss:$0x1], $0xffff  }
0x30: {  	[tilespmem:s28+$0x470] =	vst.add.f32.msk $0xffff, v1  }
0x31: {  	v1 =	vld.idx.msk [tilespmem:v0+s29+$0xFFFFFC60 ss:$0x1], $0xffff  }
0x32: {  	[tilespmem:s28+$0x10] =	vst.add.f32.msk $0xffff, v2  }
0x33: {  	[tilespmem:s28+$0x20] =	vst.add.f32.msk $0xffff, v3  }
0x34: {  	[tilespmem:s28+$0x30] =	vst.add.f32.msk $0xffff, v4  }
0x35: {  	[tilespmem:s28+$0x40] =	vst.add.f32.msk $0xffff, v5  }
0x36: {  	[tilespmem:s28+$0x50] =	vst.add.f32.msk $0xffff, v6  }
0x37: {  	[tilespmem:s28+$0x0] =	vst.add.f32.msk $0xffff, v15  }
0x38: {  	[tilespmem:s28+$0x70] =	vst.add.f32.msk $0xffff, v7  }
0x39: {  	[tilespmem:s28+$0x400] =	vst.add.f32.msk $0xffff, v8  }
0x3a: {  	[tilespmem:s28+$0x410] =	vst.add.f32.msk $0xffff, v9  }
0x3b: {  	[tilespmem:s28+$0x420] =	vst.add.f32.msk $0xffff, v10  }
0x3c: {  	[tilespmem:s28+$0x430] =	vst.add.f32.msk $0xffff, v11  }
0x3d: {  	[tilespmem:s28+$0x440] =	vst.add.f32.msk $0xffff, v12  }
0x3e: {  	[tilespmem:s28+$0x450] =	vst.add.f32.msk $0xffff, v13  }
0x3f: {  	[tilespmem:s28+$0x460] =	vst.add.f32.msk $0xffff, v14  }
0x40: {  	s26 =	simm.s32 $0x0;
	[tilespmem:s28+$0x60] =	vst.add.f32.msk $0xffff, v1;
	s28 =	sadd.s32 $0x800, s29  }
.LBB2_3:
0x41: {  	v1 =	vld.idx.msk [tilespmem:v0+s28+$0x70 ss:$0x1], $0xffff;
	s26 =	sadd.s32 $0x100, s26  }
0x42: {  	v2 =	vld.idx.msk [tilespmem:v0+s28+$0xFFFFFC10 ss:$0x1], $0xffff;
	p0 =	slt.u32 s26, $0x200  }
0x43: {  	v3 =	vld.idx.msk [tilespmem:v0+s28+$0xFFFFFC20 ss:$0x1], $0xffff  }
0x44: {  	v4 =	vld.idx.msk [tilespmem:v0+s28+$0xFFFFFC30 ss:$0x1], $0xffff  }
0x45: {  	s25 =	sadd.s32 $0x800, s25;
	v5 =	vld.idx.msk [tilespmem:v0+s28+$0xFFFFFC40 ss:$0x1], $0xffff  }
0x46: {  	s29 =	sadd.s32 s24, s25;
	v6 =	vld.idx.msk [tilespmem:v0+s28+$0xFFFFFC50 ss:$0x1], $0xffff  }
0x47: {  	[tilespmem:s29+$0x470] =	vst.add.f32.msk $0xffff, v1  }
0x48: {  	v1 =	vld.idx.msk [tilespmem:v0+s28+$0xFFFFFC60 ss:$0x1], $0xffff  }
0x49: {  	v7 =	vld.idx.msk [tilespmem:v0+s28+$0xFFFFFC70 ss:$0x1], $0xffff  }
0x4a: {  	v8 =	vld.idx.msk [tilespmem:v0+s28+$0x0 ss:$0x1], $0xffff  }
0x4b: {  	v9 =	vld.idx.msk [tilespmem:v0+s28+$0x10 ss:$0x1], $0xffff  }
0x4c: {  	v10 =	vld.idx.msk [tilespmem:v0+s28+$0x20 ss:$0x1], $0xffff  }
0x4d: {  	v11 =	vld.idx.msk [tilespmem:v0+s28+$0x30 ss:$0x1], $0xffff  }
0x4e: {  	v12 =	vld.idx.msk [tilespmem:v0+s28+$0x40 ss:$0x1], $0xffff  }
0x4f: {  	v13 =	vld.idx.msk [tilespmem:v0+s28+$0x50 ss:$0x1], $0xffff  }
0x50: {  	v14 =	vld.idx.msk [tilespmem:v0+s28+$0x60 ss:$0x1], $0xffff  }
0x51: {  	v15 =	vld.idx.msk [tilespmem:v0+s28+$0xFFFFFC00 ss:$0x1], $0xffff  }
0x52: {  	[tilespmem:s29+$0x10] =	vst.add.f32.msk $0xffff, v2  }
0x53: {  	[tilespmem:s29+$0x20] =	vst.add.f32.msk $0xffff, v3  }
0x54: {  	[tilespmem:s29+$0x30] =	vst.add.f32.msk $0xffff, v4  }
0x55: {  	[tilespmem:s29+$0x40] =	vst.add.f32.msk $0xffff, v5  }
0x56: {  	[tilespmem:s29+$0x50] =	vst.add.f32.msk $0xffff, v6  }
0x57: {  	[tilespmem:s29+$0x0] =	vst.add.f32.msk $0xffff, v15  }
0x58: {  	[tilespmem:s29+$0x60] =	vst.add.f32.msk $0xffff, v1  }
0x59: {  	[tilespmem:s29+$0x70] =	vst.add.f32.msk $0xffff, v7  }
0x5a: {  	[tilespmem:s29+$0x400] =	vst.add.f32.msk $0xffff, v8  }
0x5b: {  	[tilespmem:s29+$0x410] =	vst.add.f32.msk $0xffff, v9  }
.Ltmp0:
0x5c: {  	[tilespmem:s29+$0x420] =	vst.add.f32.msk $0xffff, v10;
	(pc) =	sbr.rel @p0 .LBB2_3-.Ltmp0, $4  }
0x5d: {  	[tilespmem:s29+$0x430] =	vst.add.f32.msk $0xffff, v11  }
0x5e: {  	[tilespmem:s29+$0x440] =	vst.add.f32.msk $0xffff, v12  }
0x5f: {  	[tilespmem:s29+$0x450] =	vst.add.f32.msk $0xffff, v13  }
0x60: {  	s28 =	sadd.s32 $0x800, s28;
	[tilespmem:s29+$0x460] =	vst.add.f32.msk $0xffff, v14  }
0x61: {  	s23 =	sadd.s32 $0x1, s23  }
0x62: {  	p0 =	sne.s32 s23, $0x40  }
.Ltmp1:
0x63: {  	_ = 	snop;
	(pc) =	sbr.rel @p0 .LBB2_2-.Ltmp1, $2  }
0x64: {  	_ =	sdelay $0x2  }
0x65: {  	s22 =	sadd.s32 $0x1, s22  }
0x66: {  	[hbm4b:s6+s15] =	stream.strided.scatter [tilespmem:s15], [sflag:$0x4], $0xC000, s14, s15, $0x38;
	[tilespmem:$0x1E000] =	vst v63  }
0x67: {  	_ =	swait.ge [sflag:s18], $0xC000  }
0x68: {  	[sflag:s18] =	ssyncset.done $0x0  }
0x69: {  	[sflag:s18] =	ssyncadd.s32 $0xFFFF4000  }
0x6a: {  	[tilespmem:s15], [sflag:$0x2] =	stream.strided.gather [hbm4b:s7+s15], $0xC000, s14, s15, $0x38;
	[tilespmem:$0x1E000] =	vst v63  }
0x6b: {  	_ =	swait.ge [sflag:s19], $0xC000  }
0x6c: {  	[sflag:s19] =	ssyncset.done $0x0  }
0x6d: {  	s22 =	simm.s32 $0x0;
	s23 =	simm.s32 $0x0;
	[sflag:s19] =	ssyncadd.s32 $0xFFFF4000  }
.LBB2_6:
0x6e: {  	s24 =	sand.u32 $0x7, s22  }
0x6f: {  	s24 =	sshll.u32 s24, $0x9  }
0x70: {  	s25 =	sshrl.u32 s23, $0x3;
	s24 =	sshrl.u32 s24, $0x2  }
0x71: {  	s25 =	sand.u32 $0x3, s25;
	v0 =	vmov s24  }
0x72: {  	s25 =	smul.u32 $0x6000, s25;
	_ =	sdelay $0x1  }
0x73: {  	s26 =	sshrl.u32 s25, $0x2  }
0x74: {  	s29 =	sor.u32 $0x400, s26  }
0x75: {  	v1 =	vld.idx.msk [tilespmem:v0+s29+$0x70 ss:$0x1], $0xffff  }
0x76: {  	v2 =	vld.idx.msk [tilespmem:v0+s29+$0xFFFFFC10 ss:$0x1], $0xffff  }
0x77: {  	v3 =	vld.idx.msk [tilespmem:v0+s29+$0xFFFFFC20 ss:$0x1], $0xffff  }
0x78: {  	v4 =	vld.idx.msk [tilespmem:v0+s29+$0xFFFFFC30 ss:$0x1], $0xffff  }
0x79: {  	v5 =	vld.idx.msk [tilespmem:v0+s29+$0xFFFFFC40 ss:$0x1], $0xffff  }
0x7a: {  	v6 =	vld.idx.msk [tilespmem:v0+s29+$0xFFFFFC50 ss:$0x1], $0xffff  }
0x7b: {  	v7 =	vld.idx.msk [tilespmem:v0+s29+$0xFFFFFC70 ss:$0x1], $0xffff  }
0x7c: {  	v8 =	vld.idx.msk [tilespmem:v0+s29+$0x0 ss:$0x1], $0xffff  }
0x7d: {  	s28 =	sshrl.u32 s23, $0x5;
	v9 =	vld.idx.msk [tilespmem:v0+s29+$0x10 ss:$0x1], $0xffff  }
0x7e: {  	s31 =	smul.u32 $0x18000, s28;
	v10 =	vld.idx.msk [tilespmem:v0+s29+$0x20 ss:$0x1], $0xffff  }
0x7f: {  	v11 =	vld.idx.msk [tilespmem:v0+s29+$0x30 ss:$0x1], $0xffff  }
0x80: {  	s25 =	sadd.s32 s25, s31;
	v12 =	vld.idx.msk [tilespmem:v0+s29+$0x40 ss:$0x1], $0xffff  }
0x81: {  	s25 =	sshra.s32 s25, $0x2;
	v13 =	vld.idx.msk [tilespmem:v0+s29+$0x50 ss:$0x1], $0xffff  }
0x82: {  	s25 =	sadd.s32 $0x12000, s25;
	v14 =	vld.idx.msk [tilespmem:v0+s29+$0x60 ss:$0x1], $0xffff  }
0x83: {  	s28 =	sadd.s32 s24, s25;
	v15 =	vld.idx.msk [tilespmem:v0+s29+$0xFFFFFC00 ss:$0x1], $0xffff  }
0x84: {  	[tilespmem:s28+$0x470] =	vst.add.f32.msk $0xffff, v1  }
0x85: {  	v1 =	vld.idx.msk [tilespmem:v0+s29+$0xFFFFFC60 ss:$0x1], $0xffff  }
0x86: {  	[tilespmem:s28+$0x10] =	vst.add.f32.msk $0xffff, v2  }
0x87: {  	[tilespmem:s28+$0x20] =	vst.add.f32.msk $0xffff, v3  }
0x88: {  	[tilespmem:s28+$0x30] =	vst.add.f32.msk $0xffff, v4  }
0x89: {  	[tilespmem:s28+$0x40] =	vst.add.f32.msk $0xffff, v5  }
0x8a: {  	[tilespmem:s28+$0x50] =	vst.add.f32.msk $0xffff, v6  }
0x8b: {  	[tilespmem:s28+$0x0] =	vst.add.f32.msk $0xffff, v15  }
0x8c: {  	[tilespmem:s28+$0x70] =	vst.add.f32.msk $0xffff, v7  }
0x8d: {  	[tilespmem:s28+$0x400] =	vst.add.f32.msk $0xffff, v8  }
0x8e: {  	[tilespmem:s28+$0x410] =	vst.add.f32.msk $0xffff, v9  }
0x8f: {  	[tilespmem:s28+$0x420] =	vst.add.f32.msk $0xffff, v10  }
0x90: {  	[tilespmem:s28+$0x430] =	vst.add.f32.msk $0xffff, v11  }
0x91: {  	[tilespmem:s28+$0x440] =	vst.add.f32.msk $0xffff, v12  }
0x92: {  	[tilespmem:s28+$0x450] =	vst.add.f32.msk $0xffff, v13  }
0x93: {  	[tilespmem:s28+$0x460] =	vst.add.f32.msk $0xffff, v14  }
0x94: {  	s26 =	simm.s32 $0x0;
	[tilespmem:s28+$0x60] =	vst.add.f32.msk $0xffff, v1;
	s28 =	sadd.s32 $0x800, s29  }
.LBB2_7:
0x95: {  	v1 =	vld.idx.msk [tilespmem:v0+s28+$0x70 ss:$0x1], $0xffff;
	s26 =	sadd.s32 $0x100, s26  }
0x96: {  	v2 =	vld.idx.msk [tilespmem:v0+s28+$0xFFFFFC10 ss:$0x1], $0xffff;
	p0 =	slt.u32 s26, $0x200  }
0x97: {  	v3 =	vld.idx.msk [tilespmem:v0+s28+$0xFFFFFC20 ss:$0x1], $0xffff  }
0x98: {  	v4 =	vld.idx.msk [tilespmem:v0+s28+$0xFFFFFC30 ss:$0x1], $0xffff  }
0x99: {  	s25 =	sadd.s32 $0x800, s25;
	v5 =	vld.idx.msk [tilespmem:v0+s28+$0xFFFFFC40 ss:$0x1], $0xffff  }
0x9a: {  	s29 =	sadd.s32 s24, s25;
	v6 =	vld.idx.msk [tilespmem:v0+s28+$0xFFFFFC50 ss:$0x1], $0xffff  }
0x9b: {  	[tilespmem:s29+$0x470] =	vst.add.f32.msk $0xffff, v1  }
0x9c: {  	v1 =	vld.idx.msk [tilespmem:v0+s28+$0xFFFFFC60 ss:$0x1], $0xffff  }
0x9d: {  	v7 =	vld.idx.msk [tilespmem:v0+s28+$0xFFFFFC70 ss:$0x1], $0xffff  }
0x9e: {  	v8 =	vld.idx.msk [tilespmem:v0+s28+$0x0 ss:$0x1], $0xffff  }
0x9f: {  	v9 =	vld.idx.msk [tilespmem:v0+s28+$0x10 ss:$0x1], $0xffff  }
0xa0: {  	v10 =	vld.idx.msk [tilespmem:v0+s28+$0x20 ss:$0x1], $0xffff  }
0xa1: {  	v11 =	vld.idx.msk [tilespmem:v0+s28+$0x30 ss:$0x1], $0xffff  }
0xa2: {  	v12 =	vld.idx.msk [tilespmem:v0+s28+$0x40 ss:$0x1], $0xffff  }
0xa3: {  	v13 =	vld.idx.msk [tilespmem:v0+s28+$0x50 ss:$0x1], $0xffff  }
0xa4: {  	v14 =	vld.idx.msk [tilespmem:v0+s28+$0x60 ss:$0x1], $0xffff  }
0xa5: {  	v15 =	vld.idx.msk [tilespmem:v0+s28+$0xFFFFFC00 ss:$0x1], $0xffff  }
0xa6: {  	[tilespmem:s29+$0x10] =	vst.add.f32.msk $0xffff, v2  }
0xa7: {  	[tilespmem:s29+$0x20] =	vst.add.f32.msk $0xffff, v3  }
0xa8: {  	[tilespmem:s29+$0x30] =	vst.add.f32.msk $0xffff, v4  }
0xa9: {  	[tilespmem:s29+$0x40] =	vst.add.f32.msk $0xffff, v5  }
0xaa: {  	[tilespmem:s29+$0x50] =	vst.add.f32.msk $0xffff, v6  }
0xab: {  	[tilespmem:s29+$0x0] =	vst.add.f32.msk $0xffff, v15  }
0xac: {  	[tilespmem:s29+$0x60] =	vst.add.f32.msk $0xffff, v1  }
0xad: {  	[tilespmem:s29+$0x70] =	vst.add.f32.msk $0xffff, v7  }
0xae: {  	[tilespmem:s29+$0x400] =	vst.add.f32.msk $0xffff, v8  }
0xaf: {  	[tilespmem:s29+$0x410] =	vst.add.f32.msk $0xffff, v9  }
.Ltmp2:
0xb0: {  	[tilespmem:s29+$0x420] =	vst.add.f32.msk $0xffff, v10;
	(pc) =	sbr.rel @p0 .LBB2_7-.Ltmp2, $4  }
0xb1: {  	[tilespmem:s29+$0x430] =	vst.add.f32.msk $0xffff, v11  }
0xb2: {  	[tilespmem:s29+$0x440] =	vst.add.f32.msk $0xffff, v12  }
0xb3: {  	[tilespmem:s29+$0x450] =	vst.add.f32.msk $0xffff, v13  }
0xb4: {  	s28 =	sadd.s32 $0x800, s28;
	[tilespmem:s29+$0x460] =	vst.add.f32.msk $0xffff, v14  }
0xb5: {  	s23 =	sadd.s32 $0x1, s23  }
0xb6: {  	p0 =	sne.s32 s23, $0x40  }
.Ltmp3:
0xb7: {  	_ = 	snop;
	(pc) =	sbr.rel @p0 .LBB2_6-.Ltmp3, $2  }
0xb8: {  	_ =	sdelay $0x2  }
0xb9: {  	s22 =	sadd.s32 $0x1, s22  }
0xba: {  	[hbm4b:s8+s15] =	stream.strided.scatter [tilespmem:s16], [sflag:$0x5], $0xC000, s14, s15, $0x38;
	[tilespmem:$0x1E000] =	vst v63  }
0xbb: {  	_ =	swait.ge [sflag:s20], $0xC000  }
0xbc: {  	[sflag:s20] =	ssyncset.done $0x0  }
0xbd: {  	[sflag:s20] =	ssyncadd.s32 $0xFFFF4000  }
0xbe: {  	[tilespmem:s16], [sflag:$0x3] =	stream.strided.gather [hbm4b:s9+s15], $0xC000, s14, s15, $0x38;
	[tilespmem:$0x1E000] =	vst v63  }
0xbf: {  	_ =	swait.ge [sflag:s17], $0xC000  }
0xc0: {  	[sflag:s17] =	ssyncset.done $0x0  }
0xc1: {  	s22 =	simm.s32 $0x0;
	s23 =	simm.s32 $0x0;
	[sflag:s17] =	ssyncadd.s32 $0xFFFF4000  }
.LBB2_10:
0xc2: {  	s24 =	sand.u32 $0x7, s22  }
0xc3: {  	s24 =	sshll.u32 s24, $0x9  }
0xc4: {  	s25 =	sshrl.u32 s23, $0x3;
	s24 =	sshrl.u32 s24, $0x2  }
0xc5: {  	s25 =	sand.u32 $0x3, s25;
	v0 =	vmov s24  }
0xc6: {  	s25 =	smul.u32 $0x6000, s25;
	_ =	sdelay $0x1  }
0xc7: {  	s26 =	sshrl.u32 s25, $0x2  }
0xc8: {  	s29 =	sor.u32 $0x400, s26  }
0xc9: {  	v1 =	vld.idx.msk [tilespmem:v0+s29+$0x70 ss:$0x1], $0xffff  }
0xca: {  	v2 =	vld.idx.msk [tilespmem:v0+s29+$0xFFFFFC10 ss:$0x1], $0xffff  }
0xcb: {  	v3 =	vld.idx.msk [tilespmem:v0+s29+$0xFFFFFC20 ss:$0x1], $0xffff  }
0xcc: {  	v4 =	vld.idx.msk [tilespmem:v0+s29+$0xFFFFFC30 ss:$0x1], $0xffff  }
0xcd: {  	v5 =	vld.idx.msk [tilespmem:v0+s29+$0xFFFFFC40 ss:$0x1], $0xffff  }
0xce: {  	v6 =	vld.idx.msk [tilespmem:v0+s29+$0xFFFFFC50 ss:$0x1], $0xffff  }
0xcf: {  	v7 =	vld.idx.msk [tilespmem:v0+s29+$0xFFFFFC70 ss:$0x1], $0xffff  }
0xd0: {  	v8 =	vld.idx.msk [tilespmem:v0+s29+$0x0 ss:$0x1], $0xffff  }
0xd1: {  	s28 =	sshrl.u32 s23, $0x5;
	v9 =	vld.idx.msk [tilespmem:v0+s29+$0x10 ss:$0x1], $0xffff  }
0xd2: {  	s31 =	smul.u32 $0x18000, s28;
	v10 =	vld.idx.msk [tilespmem:v0+s29+$0x20 ss:$0x1], $0xffff  }
0xd3: {  	v11 =	vld.idx.msk [tilespmem:v0+s29+$0x30 ss:$0x1], $0xffff  }
0xd4: {  	s25 =	sadd.s32 s25, s31;
	v12 =	vld.idx.msk [tilespmem:v0+s29+$0x40 ss:$0x1], $0xffff  }
0xd5: {  	s25 =	sshra.s32 s25, $0x2;
	v13 =	vld.idx.msk [tilespmem:v0+s29+$0x50 ss:$0x1], $0xffff  }
0xd6: {  	s25 =	sadd.s32 $0x6000, s25;
	v14 =	vld.idx.msk [tilespmem:v0+s29+$0x60 ss:$0x1], $0xffff  }
0xd7: {  	s28 =	sadd.s32 s24, s25;
	v15 =	vld.idx.msk [tilespmem:v0+s29+$0xFFFFFC00 ss:$0x1], $0xffff  }
0xd8: {  	[tilespmem:s28+$0x470] =	vst.add.f32.msk $0xffff, v1  }
0xd9: {  	v1 =	vld.idx.msk [tilespmem:v0+s29+$0xFFFFFC60 ss:$0x1], $0xffff  }
0xda: {  	[tilespmem:s28+$0x10] =	vst.add.f32.msk $0xffff, v2  }
0xdb: {  	[tilespmem:s28+$0x20] =	vst.add.f32.msk $0xffff, v3  }
0xdc: {  	[tilespmem:s28+$0x30] =	vst.add.f32.msk $0xffff, v4  }
0xdd: {  	[tilespmem:s28+$0x40] =	vst.add.f32.msk $0xffff, v5  }
0xde: {  	[tilespmem:s28+$0x50] =	vst.add.f32.msk $0xffff, v6  }
0xdf: {  	[tilespmem:s28+$0x0] =	vst.add.f32.msk $0xffff, v15  }
0xe0: {  	[tilespmem:s28+$0x70] =	vst.add.f32.msk $0xffff, v7  }
0xe1: {  	[tilespmem:s28+$0x400] =	vst.add.f32.msk $0xffff, v8  }
0xe2: {  	[tilespmem:s28+$0x410] =	vst.add.f32.msk $0xffff, v9  }
0xe3: {  	[tilespmem:s28+$0x420] =	vst.add.f32.msk $0xffff, v10  }
0xe4: {  	[tilespmem:s28+$0x430] =	vst.add.f32.msk $0xffff, v11  }
0xe5: {  	[tilespmem:s28+$0x440] =	vst.add.f32.msk $0xffff, v12  }
0xe6: {  	[tilespmem:s28+$0x450] =	vst.add.f32.msk $0xffff, v13  }
0xe7: {  	[tilespmem:s28+$0x460] =	vst.add.f32.msk $0xffff, v14  }
0xe8: {  	s26 =	simm.s32 $0x0;
	[tilespmem:s28+$0x60] =	vst.add.f32.msk $0xffff, v1;
	s28 =	sadd.s32 $0x800, s29  }
.LBB2_11:
0xe9: {  	v1 =	vld.idx.msk [tilespmem:v0+s28+$0x70 ss:$0x1], $0xffff;
	s26 =	sadd.s32 $0x100, s26  }
0xea: {  	v2 =	vld.idx.msk [tilespmem:v0+s28+$0xFFFFFC10 ss:$0x1], $0xffff;
	p0 =	slt.u32 s26, $0x200  }
0xeb: {  	v3 =	vld.idx.msk [tilespmem:v0+s28+$0xFFFFFC20 ss:$0x1], $0xffff  }
0xec: {  	v4 =	vld.idx.msk [tilespmem:v0+s28+$0xFFFFFC30 ss:$0x1], $0xffff  }
0xed: {  	s25 =	sadd.s32 $0x800, s25;
	v5 =	vld.idx.msk [tilespmem:v0+s28+$0xFFFFFC40 ss:$0x1], $0xffff  }
0xee: {  	s29 =	sadd.s32 s24, s25;
	v6 =	vld.idx.msk [tilespmem:v0+s28+$0xFFFFFC50 ss:$0x1], $0xffff  }
0xef: {  	[tilespmem:s29+$0x470] =	vst.add.f32.msk $0xffff, v1  }
0xf0: {  	v1 =	vld.idx.msk [tilespmem:v0+s28+$0xFFFFFC60 ss:$0x1], $0xffff  }
0xf1: {  	v7 =	vld.idx.msk [tilespmem:v0+s28+$0xFFFFFC70 ss:$0x1], $0xffff  }
0xf2: {  	v8 =	vld.idx.msk [tilespmem:v0+s28+$0x0 ss:$0x1], $0xffff  }
0xf3: {  	v9 =	vld.idx.msk [tilespmem:v0+s28+$0x10 ss:$0x1], $0xffff  }
0xf4: {  	v10 =	vld.idx.msk [tilespmem:v0+s28+$0x20 ss:$0x1], $0xffff  }
0xf5: {  	v11 =	vld.idx.msk [tilespmem:v0+s28+$0x30 ss:$0x1], $0xffff  }
0xf6: {  	v12 =	vld.idx.msk [tilespmem:v0+s28+$0x40 ss:$0x1], $0xffff  }
0xf7: {  	v13 =	vld.idx.msk [tilespmem:v0+s28+$0x50 ss:$0x1], $0xffff  }
0xf8: {  	v14 =	vld.idx.msk [tilespmem:v0+s28+$0x60 ss:$0x1], $0xffff  }
0xf9: {  	v15 =	vld.idx.msk [tilespmem:v0+s28+$0xFFFFFC00 ss:$0x1], $0xffff  }
0xfa: {  	[tilespmem:s29+$0x10] =	vst.add.f32.msk $0xffff, v2  }
0xfb: {  	[tilespmem:s29+$0x20] =	vst.add.f32.msk $0xffff, v3  }
0xfc: {  	[tilespmem:s29+$0x30] =	vst.add.f32.msk $0xffff, v4  }
0xfd: {  	[tilespmem:s29+$0x40] =	vst.add.f32.msk $0xffff, v5  }
0xfe: {  	[tilespmem:s29+$0x50] =	vst.add.f32.msk $0xffff, v6  }
0xff: {  	[tilespmem:s29+$0x0] =	vst.add.f32.msk $0xffff, v15  }
0x100: {  	[tilespmem:s29+$0x60] =	vst.add.f32.msk $0xffff, v1  }
0x101: {  	[tilespmem:s29+$0x70] =	vst.add.f32.msk $0xffff, v7  }
0x102: {  	[tilespmem:s29+$0x400] =	vst.add.f32.msk $0xffff, v8  }
0x103: {  	[tilespmem:s29+$0x410] =	vst.add.f32.msk $0xffff, v9  }
.Ltmp4:
0x104: {  	[tilespmem:s29+$0x420] =	vst.add.f32.msk $0xffff, v10;
	(pc) =	sbr.rel @p0 .LBB2_11-.Ltmp4, $4  }
0x105: {  	[tilespmem:s29+$0x430] =	vst.add.f32.msk $0xffff, v11  }
0x106: {  	[tilespmem:s29+$0x440] =	vst.add.f32.msk $0xffff, v12  }
0x107: {  	[tilespmem:s29+$0x450] =	vst.add.f32.msk $0xffff, v13  }
0x108: {  	s28 =	sadd.s32 $0x800, s28;
	[tilespmem:s29+$0x460] =	vst.add.f32.msk $0xffff, v14  }
0x109: {  	s23 =	sadd.s32 $0x1, s23  }
0x10a: {  	p0 =	sne.s32 s23, $0x40  }
.Ltmp5:
0x10b: {  	_ = 	snop;
	(pc) =	sbr.rel @p0 .LBB2_10-.Ltmp5, $2  }
0x10c: {  	_ =	sdelay $0x2  }
0x10d: {  	s22 =	sadd.s32 $0x1, s22  }
0x10e: {  	[hbm4b:s10+s15] =	stream.strided.scatter [tilespmem:s15], [sflag:$0x4], $0xC000, s14, s15, $0x38;
	[tilespmem:$0x1E000] =	vst v63  }
0x10f: {  	_ =	swait.ge [sflag:s19], $0xC000  }
0x110: {  	[sflag:s19] =	ssyncset.done $0x0  }
0x111: {  	s22 =	simm.s32 $0x0;
	s23 =	simm.s32 $0x0;
	[sflag:s19] =	ssyncadd.s32 $0xFFFF4000  }
.LBB2_14:
0x112: {  	s24 =	sand.u32 $0x7, s22  }
0x113: {  	s24 =	sshll.u32 s24, $0x9  }
0x114: {  	s25 =	sshrl.u32 s23, $0x3;
	s24 =	sshrl.u32 s24, $0x2  }
0x115: {  	s25 =	sand.u32 $0x3, s25;
	v0 =	vmov s24  }
0x116: {  	s25 =	smul.u32 $0x6000, s25;
	_ =	sdelay $0x1  }
0x117: {  	s26 =	sshrl.u32 s25, $0x2  }
0x118: {  	s29 =	sor.u32 $0x400, s26  }
0x119: {  	v1 =	vld.idx.msk [tilespmem:v0+s29+$0x70 ss:$0x1], $0xffff  }
0x11a: {  	v2 =	vld.idx.msk [tilespmem:v0+s29+$0xFFFFFC10 ss:$0x1], $0xffff  }
0x11b: {  	v3 =	vld.idx.msk [tilespmem:v0+s29+$0xFFFFFC20 ss:$0x1], $0xffff  }
0x11c: {  	v4 =	vld.idx.msk [tilespmem:v0+s29+$0xFFFFFC30 ss:$0x1], $0xffff  }
0x11d: {  	v5 =	vld.idx.msk [tilespmem:v0+s29+$0xFFFFFC40 ss:$0x1], $0xffff  }
0x11e: {  	v6 =	vld.idx.msk [tilespmem:v0+s29+$0xFFFFFC50 ss:$0x1], $0xffff  }
0x11f: {  	v7 =	vld.idx.msk [tilespmem:v0+s29+$0xFFFFFC70 ss:$0x1], $0xffff  }
0x120: {  	v8 =	vld.idx.msk [tilespmem:v0+s29+$0x0 ss:$0x1], $0xffff  }
0x121: {  	s28 =	sshrl.u32 s23, $0x5;
	v9 =	vld.idx.msk [tilespmem:v0+s29+$0x10 ss:$0x1], $0xffff  }
0x122: {  	s31 =	smul.u32 $0x18000, s28;
	v10 =	vld.idx.msk [tilespmem:v0+s29+$0x20 ss:$0x1], $0xffff  }
0x123: {  	v11 =	vld.idx.msk [tilespmem:v0+s29+$0x30 ss:$0x1], $0xffff  }
0x124: {  	s25 =	sadd.s32 s25, s31;
	v12 =	vld.idx.msk [tilespmem:v0+s29+$0x40 ss:$0x1], $0xffff  }
0x125: {  	s25 =	sshra.s32 s25, $0x2;
	v13 =	vld.idx.msk [tilespmem:v0+s29+$0x50 ss:$0x1], $0xffff  }
0x126: {  	s25 =	sadd.s32 $0x12000, s25;
	v14 =	vld.idx.msk [tilespmem:v0+s29+$0x60 ss:$0x1], $0xffff  }
0x127: {  	s28 =	sadd.s32 s24, s25;
	v15 =	vld.idx.msk [tilespmem:v0+s29+$0xFFFFFC00 ss:$0x1], $0xffff  }
0x128: {  	[tilespmem:s28+$0x470] =	vst.add.f32.msk $0xffff, v1  }
0x129: {  	v1 =	vld.idx.msk [tilespmem:v0+s29+$0xFFFFFC60 ss:$0x1], $0xffff  }
0x12a: {  	[tilespmem:s28+$0x10] =	vst.add.f32.msk $0xffff, v2  }
0x12b: {  	[tilespmem:s28+$0x20] =	vst.add.f32.msk $0xffff, v3  }
0x12c: {  	[tilespmem:s28+$0x30] =	vst.add.f32.msk $0xffff, v4  }
0x12d: {  	[tilespmem:s28+$0x40] =	vst.add.f32.msk $0xffff, v5  }
0x12e: {  	[tilespmem:s28+$0x50] =	vst.add.f32.msk $0xffff, v6  }
0x12f: {  	[tilespmem:s28+$0x0] =	vst.add.f32.msk $0xffff, v15  }
0x130: {  	[tilespmem:s28+$0x70] =	vst.add.f32.msk $0xffff, v7  }
0x131: {  	[tilespmem:s28+$0x400] =	vst.add.f32.msk $0xffff, v8  }
0x132: {  	[tilespmem:s28+$0x410] =	vst.add.f32.msk $0xffff, v9  }
0x133: {  	[tilespmem:s28+$0x420] =	vst.add.f32.msk $0xffff, v10  }
0x134: {  	[tilespmem:s28+$0x430] =	vst.add.f32.msk $0xffff, v11  }
0x135: {  	[tilespmem:s28+$0x440] =	vst.add.f32.msk $0xffff, v12  }
0x136: {  	[tilespmem:s28+$0x450] =	vst.add.f32.msk $0xffff, v13  }
0x137: {  	[tilespmem:s28+$0x460] =	vst.add.f32.msk $0xffff, v14  }
0x138: {  	s26 =	simm.s32 $0x0;
	[tilespmem:s28+$0x60] =	vst.add.f32.msk $0xffff, v1;
	s28 =	sadd.s32 $0x800, s29  }
.LBB2_15:
0x139: {  	v1 =	vld.idx.msk [tilespmem:v0+s28+$0x70 ss:$0x1], $0xffff;
	s26 =	sadd.s32 $0x100, s26  }
0x13a: {  	v2 =	vld.idx.msk [tilespmem:v0+s28+$0xFFFFFC10 ss:$0x1], $0xffff;
	p0 =	slt.u32 s26, $0x200  }
0x13b: {  	v3 =	vld.idx.msk [tilespmem:v0+s28+$0xFFFFFC20 ss:$0x1], $0xffff  }
0x13c: {  	v4 =	vld.idx.msk [tilespmem:v0+s28+$0xFFFFFC30 ss:$0x1], $0xffff  }
0x13d: {  	s25 =	sadd.s32 $0x800, s25;
	v5 =	vld.idx.msk [tilespmem:v0+s28+$0xFFFFFC40 ss:$0x1], $0xffff  }
0x13e: {  	s29 =	sadd.s32 s24, s25;
	v6 =	vld.idx.msk [tilespmem:v0+s28+$0xFFFFFC50 ss:$0x1], $0xffff  }
0x13f: {  	[tilespmem:s29+$0x470] =	vst.add.f32.msk $0xffff, v1  }
0x140: {  	v1 =	vld.idx.msk [tilespmem:v0+s28+$0xFFFFFC60 ss:$0x1], $0xffff  }
0x141: {  	v7 =	vld.idx.msk [tilespmem:v0+s28+$0xFFFFFC70 ss:$0x1], $0xffff  }
0x142: {  	v8 =	vld.idx.msk [tilespmem:v0+s28+$0x0 ss:$0x1], $0xffff  }
0x143: {  	v9 =	vld.idx.msk [tilespmem:v0+s28+$0x10 ss:$0x1], $0xffff  }
0x144: {  	v10 =	vld.idx.msk [tilespmem:v0+s28+$0x20 ss:$0x1], $0xffff  }
0x145: {  	v11 =	vld.idx.msk [tilespmem:v0+s28+$0x30 ss:$0x1], $0xffff  }
0x146: {  	v12 =	vld.idx.msk [tilespmem:v0+s28+$0x40 ss:$0x1], $0xffff  }
0x147: {  	v13 =	vld.idx.msk [tilespmem:v0+s28+$0x50 ss:$0x1], $0xffff  }
0x148: {  	v14 =	vld.idx.msk [tilespmem:v0+s28+$0x60 ss:$0x1], $0xffff  }
0x149: {  	v15 =	vld.idx.msk [tilespmem:v0+s28+$0xFFFFFC00 ss:$0x1], $0xffff  }
0x14a: {  	[tilespmem:s29+$0x10] =	vst.add.f32.msk $0xffff, v2  }
0x14b: {  	[tilespmem:s29+$0x20] =	vst.add.f32.msk $0xffff, v3  }
0x14c: {  	[tilespmem:s29+$0x30] =	vst.add.f32.msk $0xffff, v4  }
0x14d: {  	[tilespmem:s29+$0x40] =	vst.add.f32.msk $0xffff, v5  }
0x14e: {  	[tilespmem:s29+$0x50] =	vst.add.f32.msk $0xffff, v6  }
0x14f: {  	[tilespmem:s29+$0x0] =	vst.add.f32.msk $0xffff, v15  }
0x150: {  	[tilespmem:s29+$0x60] =	vst.add.f32.msk $0xffff, v1  }
0x151: {  	[tilespmem:s29+$0x70] =	vst.add.f32.msk $0xffff, v7  }
0x152: {  	[tilespmem:s29+$0x400] =	vst.add.f32.msk $0xffff, v8  }
0x153: {  	[tilespmem:s29+$0x410] =	vst.add.f32.msk $0xffff, v9  }
.Ltmp6:
0x154: {  	[tilespmem:s29+$0x420] =	vst.add.f32.msk $0xffff, v10;
	(pc) =	sbr.rel @p0 .LBB2_15-.Ltmp6, $4  }
0x155: {  	[tilespmem:s29+$0x430] =	vst.add.f32.msk $0xffff, v11  }
0x156: {  	[tilespmem:s29+$0x440] =	vst.add.f32.msk $0xffff, v12  }
0x157: {  	[tilespmem:s29+$0x450] =	vst.add.f32.msk $0xffff, v13  }
0x158: {  	s28 =	sadd.s32 $0x800, s28;
	[tilespmem:s29+$0x460] =	vst.add.f32.msk $0xffff, v14  }
0x159: {  	s23 =	sadd.s32 $0x1, s23  }
0x15a: {  	p0 =	sne.s32 s23, $0x40  }
.Ltmp7:
0x15b: {  	_ = 	snop;
	(pc) =	sbr.rel @p0 .LBB2_14-.Ltmp7, $2  }
0x15c: {  	_ =	sdelay $0x2  }
0x15d: {  	s22 =	sadd.s32 $0x1, s22  }
0x15e: {  	[hbm4b:s11+s15] =	stream.strided.scatter [tilespmem:s16], [sflag:$0x5], $0xC000, s14, s15, $0x38;
	[tilespmem:$0x1E000] =	vst v63  }
0x15f: {  	s21 =	sadd.s32 $0x1, s21  }
0x160: {  	_ =	swait.ge [sflag:s18], $0xC000;
	p0 =	sne.s32 s21, s12  }
.Ltmp8:
0x161: {  	[sflag:s18] =	ssyncset.done $0x0;
	(pc) =	sbr.rel @p0 .LBB2_1-.Ltmp8, $4  }
0x162: {  	[sflag:s18] =	ssyncadd.s32 $0xFFFF4000  }
0x163: {  	_ =	swait.ge [sflag:s20], $0xC000  }
0x164: {  	[sflag:s20] =	ssyncset.done $0x0  }
0x165: {  	[sflag:s20] =	ssyncadd.s32 $0xFFFF4000  }
0x166: {  	_ =	sfence.sel $0x180000  }
0x167: {  	[bflag:$0x0] =	sbarrier.arrive $0xFFFF  }
0x168: {  	p0 =	sne.s32 s0, $0x0;
	_ =	strace $0x90000047  }
0x169: {  	s0 =	sadd.s32 @!p0 $0x100000, s1;
	[bflag:$0x2] =	sbarrier.arrive $0xFFFF  }
0x16a: {  	[sflag:s0] =	ssyncadd.tile.s32 @!p0 $0x1;
	_ =	shalt  }
.Lfunc_end2:
_tile_overlayer_lowered:
.L_overlay_start_2:
0x16b: {  	(tag) =	ssettag $0x2  }
0x16c: {  	s0 =	rddreg [dreg:$0x0];
	s2 =	stileid.u32  }
0x16d: {  	s1 =	rddreg [dreg:$0x1];
	p0 =	sne.s32 s2, $0x0  }
0x16e: {  	s3 =	rddreg [dreg:$0x2];
	[bflag:$0x3] =	sbarrier.arrive $0xFFFF;
	s2 =	simm.s32 @!p0 $0x1C06  }
0x16f: {  	[timem:s3], [sflag:s2] =	dma.local @!p0 [hbm:s0], s1  }
0x170: {  	s0 =	simm.s32 @!p0 $0x6  }
0x171: {  	_ =	swait.ge @!p0 [sflag:s0], s1  }
0x172: {  	s1 =	ssub.s32 @!p0 $0x0, s1;
	[sflag:s0] =	ssyncset.done @!p0 $0x0  }
0x173: {  	[sflag:s0] =	ssyncadd.s32 @!p0 s1  }
0x174: {  	[bflag:$0x3] =	sbarrier.arrive $0xFFFF  }
0x175: {  	_ =	shalt  }

</sc_bundles>
